<compile_context>
chip_gen: v7x
topology: tpu7x:2x2x1
jax: 0.10.2.dev20260603
libtpu: 0.0.44.dev20260713+nightly
codegen_flags: <defaults>
</compile_context>

<pallas_src>
import functools
import jax
import jax.numpy as jnp
from jax import lax
from jax.experimental import pallas as pl
from jax.experimental.pallas import tpu as pltpu
from jax.experimental.pallas import tpu_sc as plsc

_H = 8
_D = 16
_HID = 128
_NC = 2
_NS = 16
_NW = _NC * _NS
_NP = 10240


def _shuf(v, idx):
    return v.at[idx].get(mode="promise_in_bounds")


def _node_proj_body(ns_ref, wq_ref, bq_ref, wk_ref, bk_ref, wv_ref, bv_ref,
                    q_ref, k_ref, msg_ref):
    ns = ns_ref[...]
    q_ref[...] = jnp.dot(ns, wq_ref[...], preferred_element_type=jnp.float32) + bq_ref[...]
    k_ref[...] = jnp.dot(ns, wk_ref[...], preferred_element_type=jnp.float32) + bk_ref[...]
    v = jnp.dot(ns, wv_ref[...], preferred_element_type=jnp.float32) + bv_ref[...]
    msg_ref[...] = v * ns


def _node_proj(ns, Wq, bq, Wk, bk, Wv, bv):
    n = ns.shape[0]
    blk = 400
    grid = n // blk
    mat = pl.BlockSpec((_HID, _HID), lambda i: (0, 0))
    vec = pl.BlockSpec((_HID,), lambda i: (0,))
    row = pl.BlockSpec((blk, _HID), lambda i: (i, 0))
    return pl.pallas_call(
        _node_proj_body,
        grid=(grid,),
        in_specs=[row, mat, vec, mat, vec, mat, vec],
        out_specs=[row, row, row],
        out_shape=[jax.ShapeDtypeStruct((n, _HID), jnp.float32)] * 3,
    )(ns, Wq, bq, Wk, bk, Wv, bv)


def _edge_self_body(es_ref, we_ref, be_ref, m_ref, out_ref):
    es = es_ref[...]
    t = jnp.dot(es, we_ref[...], preferred_element_type=jnp.float32) + be_ref[...]
    sp = t * es
    out_ref[...] = jnp.dot(sp, m_ref[...], preferred_element_type=jnp.float32) * 0.25


def _edge_self(es, We, be):
    e = es.shape[0]
    blk = 2000
    grid = e // blk
    m = jnp.kron(jnp.eye(_H, dtype=jnp.float32), jnp.ones((_D, 1), jnp.float32))
    return pl.pallas_call(
        _edge_self_body,
        grid=(grid,),
        in_specs=[
            pl.BlockSpec((blk, _HID), lambda i: (i, 0)),
            pl.BlockSpec((_HID, _HID), lambda i: (0, 0)),
            pl.BlockSpec((_HID,), lambda i: (0,)),
            pl.BlockSpec((_HID, _H), lambda i: (0, 0)),
        ],
        out_specs=pl.BlockSpec((blk, _H), lambda i: (i, 0)),
        out_shape=jax.ShapeDtypeStruct((e, _H), jnp.float32),
    )(es, We, be, m)


def _node_out_body(u_ref, d0_ref, d1_ref, rb_ref, wno_ref, bno_ref, out_ref):
    r = 1.0 / (d0_ref[...] + d1_ref[...] + 1e-12)
    rb = jnp.dot(r, rb_ref[...], preferred_element_type=jnp.float32)
    agg = u_ref[...] * rb
    out_ref[...] = jnp.dot(agg, wno_ref[...], preferred_element_type=jnp.float32) + bno_ref[...]


def _node_out(u, d0, d1, Wno, bno):
    n = u.shape[0]
    blk = 400
    grid = n // blk
    rb = jnp.concatenate(
        [jnp.kron(jnp.eye(_H, dtype=jnp.float32), jnp.ones((1, _D), jnp.float32)),
         jnp.zeros((16 - _H, _HID), jnp.float32)], axis=0)
    row = pl.BlockSpec((blk, _HID), lambda i: (i, 0))
    drow = pl.BlockSpec((blk, 16), lambda i: (i, 0))
    return pl.pallas_call(
        _node_out_body,
        grid=(grid,),
        in_specs=[
            row, drow, drow,
            pl.BlockSpec((16, _HID), lambda i: (0, 0)),
            pl.BlockSpec((_HID, _HID), lambda i: (0, 0)),
            pl.BlockSpec((_HID,), lambda i: (0,)),
        ],
        out_specs=row,
        out_shape=jax.ShapeDtypeStruct((n, _HID), jnp.float32),
    )(u, d0, d1, rb, Wno, bno)


def _edge_out_body(att_ref, weo_ref, beo_ref, out_ref):
    out_ref[...] = jnp.dot(att_ref[...], weo_ref[...], preferred_element_type=jnp.float32) + beo_ref[...]


def _edge_out(att, Weo, beo):
    e = att.shape[0]
    blk = 2000
    grid = e // blk
    return pl.pallas_call(
        _edge_out_body,
        grid=(grid,),
        in_specs=[
            pl.BlockSpec((blk, _H), lambda i: (i, 0)),
            pl.BlockSpec((_H, _HID), lambda i: (0, 0)),
            pl.BlockSpec((_HID,), lambda i: (0,)),
        ],
        out_specs=pl.BlockSpec((blk, _HID), lambda i: (i, 0)),
        out_shape=jax.ShapeDtypeStruct((e, _HID), jnp.float32),
    )(att, Weo, beo)


def _sc_scores(q_t, k_t, src, dst, eself_flat):
    e = src.shape[0]
    ew = e // _NW
    cb = 200
    nch = ew // cb
    mesh = plsc.VectorSubcoreMesh(core_axis_name="c", subcore_axis_name="s")

    @functools.partial(
        pl.kernel, mesh=mesh,
        out_type=(
            jax.ShapeDtypeStruct((e * _H,), jnp.float32),
            jax.ShapeDtypeStruct((_NW, 16), jnp.float32),
        ),
        scratch_types=[
            pltpu.VMEM((cb,), jnp.int32),
            pltpu.VMEM((cb,), jnp.int32),
            pltpu.VMEM((cb, _HID), jnp.float32),
            pltpu.VMEM((cb, _HID), jnp.float32),
            pltpu.VMEM((cb * _H,), jnp.float32),
            pltpu.VMEM((cb * _H,), jnp.float32),
            pltpu.VMEM((16,), jnp.float32),
            pltpu.SemaphoreType.DMA,
            pltpu.SemaphoreType.DMA,
        ],
    )
    def body(q_hbm, k_hbm, src_hbm, dst_hbm, es_hbm,
             sc_hbm, pmax_hbm,
             srcv, dstv, qr, kr, esv, scv, mxv, sem1, sem2):
        wid = lax.axis_index("s") * _NC + lax.axis_index("c")
        iot = lax.iota(jnp.int32, 16)
        ix8 = iot ^ 8
        lo8 = iot < _H

        def chunk(ci, mx):
            base = wid * ew + ci * cb
            pltpu.sync_copy(src_hbm.at[pl.ds(base, cb)], srcv)
            pltpu.sync_copy(dst_hbm.at[pl.ds(base, cb)], dstv)
            pltpu.sync_copy(es_hbm.at[pl.ds(base * _H, cb * _H)], esv)
            c1 = pltpu.async_copy(q_hbm.at[srcv], qr, sem1)
            c2 = pltpu.async_copy(k_hbm.at[dstv], kr, sem2)
            c1.wait()
            c2.wait()

            def pair(j, mx):
                accs = []
                for jj in range(2):
                    row = 2 * j + jj
                    acc = qr[row, pl.ds(0, 16)] * kr[row, pl.ds(0, 16)]
                    for t in range(1, _HID // 16):
                        acc = acc + (qr[row, pl.ds(t * 16, 16)] *
                                     kr[row, pl.ds(t * 16, 16)])
                    acc = acc + _shuf(acc, ix8)
                    accs.append(acc)
                s16 = (jnp.where(lo8, accs[0], accs[1]) * 0.25
                       + esv[pl.ds(j * 16, 16)])
                scv[pl.ds(j * 16, 16)] = s16
                return jnp.maximum(mx, s16)

            mx = lax.fori_loop(0, cb // 2, pair, mx)
            pltpu.sync_copy(scv, sc_hbm.at[pl.ds(base * _H, cb * _H)])
            return mx

        mx = lax.fori_loop(0, nch, chunk, jnp.full((16,), -1e30, jnp.float32))
        mxv[...] = mx
        pltpu.sync_copy(mxv, pmax_hbm.at[wid])

    return body(q_t, k_t, src, dst, eself_flat)


def kernel(node_states, edge_index, edge_states, Wq, bq, Wk, bk, Wv, bv,
           We, be, Wno, bno, Weo, beo):
    n = node_states.shape[0]
    e = edge_states.shape[0]
    src = edge_index[0]
    dst = edge_index[1]

    rows = jnp.arange(_HID)
    cols = (rows % _D) * _H + rows // _D
    perm = jnp.zeros((_HID, _HID), jnp.float32).at[rows, cols].set(1.0)
    q_t, k_t, msg = _node_proj(node_states, Wq @ perm, bq @ perm,
                               Wk @ perm, bk @ perm, Wv, bv)
    eself = _edge_self(edge_states, We, be)

    scores_flat, pmax = _sc_scores(q_t, k_t, src, dst, eself.reshape(-1))
    scores = scores_flat.reshape(e, _H)
    gmax = jnp.max(pmax)
    p = jnp.exp(scores - gmax)
    denom = jax.ops.segment_sum(
        p.reshape(-1),
        (src[:, None] * _H + jnp.arange(_H)[None, :]).reshape(-1),
        num_segments=n * _H).reshape(n, _H)
    u = jax.ops.segment_sum(
        p[:, :, None] * msg[dst].reshape(e, _H, _D), src,
        num_segments=n).reshape(n, _HID)
    att = p / (denom[src] + 1e-12)
    d16 = jnp.concatenate([denom, jnp.zeros((n, 16 - _H), jnp.float32)], axis=1)
    node_update = _node_out(u, d16, jnp.zeros_like(d16), Wno, bno)
    edge_update = _edge_out(att, Weo, beo)
    return (node_update, edge_update, att)

# --- scband reference (transcript-rebuilt; emitter-appended) ---
"""Pipeline reference for scband-edge-aware-multi-head-graph-attention-16286515986913 (READ-ONLY COPY).

The authoritative reference and input builder live on the scoring server;
editing this copy changes nothing except your own understanding.
"""

import jax, jax.numpy as jnp
import numpy as np
import math

N = 10000
E = 320000
HID = 128
H = 8
D = HID // H


def setup_inputs(seed: int = 0) -> dict:
    key = jax.random.key(seed)
    ks = jax.random.split(key, 16)
    s = 1.0 / math.sqrt(HID)
    inp = {
        "node_states": jax.random.normal(ks[0], (N, HID), dtype=jnp.float32),
        "edge_index": jax.random.randint(ks[1], (2, E), 0, N),
        "edge_states": jax.random.normal(ks[2], (E, HID), dtype=jnp.float32),
        "Wq": jax.random.normal(ks[3], (HID, HID), dtype=jnp.float32) * s,
        "bq": jnp.zeros((HID,), dtype=jnp.float32),
        "Wk": jax.random.normal(ks[4], (HID, HID), dtype=jnp.float32) * s,
        "bk": jnp.zeros((HID,), dtype=jnp.float32),
        "Wv": jax.random.normal(ks[5], (HID, HID), dtype=jnp.float32) * s,
        "bv": jnp.zeros((HID,), dtype=jnp.float32),
        "We": jax.random.normal(ks[6], (HID, HID), dtype=jnp.float32) * s,
        "be": jnp.zeros((HID,), dtype=jnp.float32),
        "Wno": jax.random.normal(ks[7], (HID, HID), dtype=jnp.float32) * s,
        "bno": jnp.zeros((HID,), dtype=jnp.float32),
        "Weo": jax.random.normal(ks[8], (H, HID), dtype=jnp.float32) * (1.0 / math.sqrt(H)),
        "beo": jnp.zeros((HID,), dtype=jnp.float32),
    }
    return inp


def _segment_softmax(scores, src, num_nodes, num_heads):
    num_edges = scores.shape[0]
    head_ids = jnp.arange(num_heads).reshape(1, num_heads)
    segment_ids = src.reshape(-1, 1) * num_heads + head_ids
    flat_scores = scores.reshape(-1)
    flat_seg = segment_ids.reshape(-1)
    nseg = num_nodes * num_heads
    max_per = jax.ops.segment_max(flat_scores, flat_seg, num_segments=nseg)
    stab = flat_scores - max_per[flat_seg]
    exp_scores = jnp.exp(stab)
    denom = jax.ops.segment_sum(exp_scores, flat_seg, num_segments=nseg)
    return (exp_scores / (denom[flat_seg] + 1e-12)).reshape(num_edges, num_heads)


def reference(node_states, edge_index, edge_states, Wq, bq, Wk, bk, Wv, bv, We, be, Wno, bno, Weo, beo):
    src = edge_index[0]
    dst = edge_index[1]
    num_nodes = node_states.shape[0]
    q = (node_states @ Wq + bq).reshape(num_nodes, H, D)
    k = (node_states @ Wk + bk).reshape(num_nodes, H, D)
    v = (node_states @ Wv + bv).reshape(num_nodes, H, D)
    edge_heads = edge_states.reshape(-1, H, D)
    edge_score_heads = (edge_states @ We + be).reshape(-1, H, D)
    scores = ((q[src] * k[dst]).sum(axis=-1) + (edge_score_heads * edge_heads).sum(axis=-1)) / math.sqrt(D)
    attention = _segment_softmax(scores, src, num_nodes, H)
    neighbor_state = node_states[dst].reshape(-1, H, D)
    neighbor_message = v[dst] * neighbor_state
    weighted_message = attention[:, :, None] * neighbor_message
    aggregated = jax.ops.segment_sum(weighted_message, src, num_segments=num_nodes)
    aggregated = aggregated.reshape(num_nodes, HID)
    node_update = aggregated @ Wno + bno
    edge_update = attention @ Weo + beo
    return (node_update, edge_update, attention)

if __name__ == "__main__":
    import jax
    _d = setup_inputs()
    print(jax.jit(kernel)(*tuple(_d.values())))

</pallas_src>

<mosaic_0001>
#map = affine_map<(d0, d1) -> (0, 0)>
#map1 = affine_map<(d0, d1) -> (0)>
module attributes {stable_mosaic.version = 14 : i64} {
  func.func @body(%arg0: i32, %arg1: i32, %arg2: memref<10000x128xf32, #tpu.memory_space<hbm>>, %arg3: memref<10000x128xf32, #tpu.memory_space<hbm>>, %arg4: memref<320000xi32, #tpu.memory_space<hbm>>, %arg5: memref<320000xi32, #tpu.memory_space<hbm>>, %arg6: memref<2560000xf32, #tpu.memory_space<hbm>>, %arg7: memref<2560000xf32, #tpu.memory_space<hbm>>, %arg8: memref<32x16xf32, #tpu.memory_space<hbm>>, %arg9: memref<200xi32, #tpu.memory_space<vmem>>, %arg10: memref<200xi32, #tpu.memory_space<vmem>>, %arg11: memref<200x128xf32, #tpu.memory_space<vmem>>, %arg12: memref<200x128xf32, #tpu.memory_space<vmem>>, %arg13: memref<1600xf32, #tpu.memory_space<vmem>>, %arg14: memref<1600xf32, #tpu.memory_space<vmem>>, %arg15: memref<16xf32, #tpu.memory_space<vmem>>, %arg16: memref<!tpu.dma_semaphore, #tpu.memory_space<semaphore_mem>>, %arg17: memref<!tpu.dma_semaphore, #tpu.memory_space<semaphore_mem>>) attributes {dimension_semantics = [#tpu.dimension_semantics<core_parallel>, #tpu.dimension_semantics<subcore_parallel>], iteration_bounds = array<i64: 2, 16>, scalar_prefetch = 0 : i64, scratch_operands = 9 : i64, tpu.core_type = #tpu.core_type<sc_vector_subcore>, window_params = [{transform_indices = #map}, {transform_indices = #map}, {transform_indices = #map1}, {transform_indices = #map1}, {transform_indices = #map1}, {transform_indices = #map1}, {transform_indices = #map}]} {
    %mul3A = arith.constant 2 : i32
    %mul3A_0 = arith.muli %arg1, %mul3A : i32
    %add3A = arith.addi %mul3A_0, %arg0 : i32
    %iota3A = tpu.iota {dimensions = array<i32: 0>} : vector<16xi32>
    %xor3A = arith.constant 8 : i32
    %xor3A_1 = vector.broadcast %xor3A : i32 to vector<16xi32>
    %xor3A_2 = arith.xori %iota3A, %xor3A_1 : vector<16xi32>
    %lt3A = arith.constant 8 : i32
    %lt3A_3 = vector.broadcast %lt3A : i32 to vector<16xi32>
    %lt3A_4 = arith.cmpi slt, %iota3A, %lt3A_3 : vector<16xi32>
    %broadcast_in_dim3A = arith.constant -1.000000e+30 : f32
    %broadcast_in_dim3A_5 = vector.broadcast %broadcast_in_dim3A : f32 to vector<16xf32>
    %scan3A = arith.constant 0 : i32
    %scan3A_6 = arith.constant 50 : i32
    %scan3A_7 = arith.addi %scan3A, %scan3A_6 : i32
    %scan3A_8 = arith.constant 1 : i32
    %scan3A_9 = scf.for %scan3A_14 = %scan3A to %scan3A_7 step %scan3A_8 iter_args(%scan3A_15 = %broadcast_in_dim3A_5) -> (vector<16xf32>)  : i32 {
      %mul3A_16 = arith.constant 10000 : i32
      %mul3A_17 = arith.muli %add3A, %mul3A_16 : i32
      %mul3A_18 = arith.constant 200 : i32
      %mul3A_19 = arith.muli %scan3A_14, %mul3A_18 : i32
      %add3A_20 = arith.addi %mul3A_17, %mul3A_19 : i32
      "tpu.region"() ({
        %run_scoped3A = tpu.sem_alloc : memref<!tpu.dma_semaphore, #tpu.memory_space<semaphore_mem>>
        %dma_start3A_41 = tpu.memref_slice %arg4[%add3A_20] : memref<320000xi32, #tpu.memory_space<hbm>> -> memref<200xi32, #tpu.memory_space<hbm>>
        %dma_start3A_42 = tpu.memref_slice %arg4[%add3A_20] : memref<320000xi32, #tpu.memory_space<hbm>> -> memref<200xi32, #tpu.memory_space<hbm>>
        tpu.enqueue_dma source(%dma_start3A_42 : memref<200xi32, #tpu.memory_space<hbm>>) target(%arg9 : memref<200xi32, #tpu.memory_space<vmem>>) target_semaphore(%run_scoped3A : memref<!tpu.dma_semaphore, #tpu.memory_space<semaphore_mem>>)
        %dma_wait3A_43 = tpu.memref_slice %arg4[%add3A_20] : memref<320000xi32, #tpu.memory_space<hbm>> -> memref<200xi32, #tpu.memory_space<hbm>>
        %dma_wait3A_44 = tpu.memref_slice %arg4[%add3A_20] : memref<320000xi32, #tpu.memory_space<hbm>> -> memref<200xi32, #tpu.memory_space<hbm>>
        tpu.wait_dma2 semaphore(%run_scoped3A : memref<!tpu.dma_semaphore, #tpu.memory_space<semaphore_mem>>) src(%dma_wait3A_44 : memref<200xi32, #tpu.memory_space<hbm>>) dst(%arg9 : memref<200xi32, #tpu.memory_space<vmem>>)
        tpu.yield
      }) : () -> ()
      "tpu.region"() ({
        %run_scoped3A = tpu.sem_alloc : memref<!tpu.dma_semaphore, #tpu.memory_space<semaphore_mem>>
        %dma_start3A_41 = tpu.memref_slice %arg5[%add3A_20] : memref<320000xi32, #tpu.memory_space<hbm>> -> memref<200xi32, #tpu.memory_space<hbm>>
        %dma_start3A_42 = tpu.memref_slice %arg5[%add3A_20] : memref<320000xi32, #tpu.memory_space<hbm>> -> memref<200xi32, #tpu.memory_space<hbm>>
        tpu.enqueue_dma source(%dma_start3A_42 : memref<200xi32, #tpu.memory_space<hbm>>) target(%arg10 : memref<200xi32, #tpu.memory_space<vmem>>) target_semaphore(%run_scoped3A : memref<!tpu.dma_semaphore, #tpu.memory_space<semaphore_mem>>)
        %dma_wait3A_43 = tpu.memref_slice %arg5[%add3A_20] : memref<320000xi32, #tpu.memory_space<hbm>> -> memref<200xi32, #tpu.memory_space<hbm>>
        %dma_wait3A_44 = tpu.memref_slice %arg5[%add3A_20] : memref<320000xi32, #tpu.memory_space<hbm>> -> memref<200xi32, #tpu.memory_space<hbm>>
        tpu.wait_dma2 semaphore(%run_scoped3A : memref<!tpu.dma_semaphore, #tpu.memory_space<semaphore_mem>>) src(%dma_wait3A_44 : memref<200xi32, #tpu.memory_space<hbm>>) dst(%arg10 : memref<200xi32, #tpu.memory_space<vmem>>)
        tpu.yield
      }) : () -> ()
      %mul3A_21 = arith.constant 8 : i32
      %mul3A_22 = arith.muli %add3A_20, %mul3A_21 : i32
      "tpu.region"() ({
        %run_scoped3A = tpu.sem_alloc : memref<!tpu.dma_semaphore, #tpu.memory_space<semaphore_mem>>
        %dma_start3A_41 = tpu.memref_slice %arg6[%mul3A_22] : memref<2560000xf32, #tpu.memory_space<hbm>> -> memref<1600xf32, #tpu.memory_space<hbm>>
        %dma_start3A_42 = tpu.memref_slice %arg6[%mul3A_22] : memref<2560000xf32, #tpu.memory_space<hbm>> -> memref<1600xf32, #tpu.memory_space<hbm>>
        tpu.enqueue_dma source(%dma_start3A_42 : memref<1600xf32, #tpu.memory_space<hbm>>) target(%arg13 : memref<1600xf32, #tpu.memory_space<vmem>>) target_semaphore(%run_scoped3A : memref<!tpu.dma_semaphore, #tpu.memory_space<semaphore_mem>>)
        %dma_wait3A_43 = tpu.memref_slice %arg6[%mul3A_22] : memref<2560000xf32, #tpu.memory_space<hbm>> -> memref<1600xf32, #tpu.memory_space<hbm>>
        %dma_wait3A_44 = tpu.memref_slice %arg6[%mul3A_22] : memref<2560000xf32, #tpu.memory_space<hbm>> -> memref<1600xf32, #tpu.memory_space<hbm>>
        tpu.wait_dma2 semaphore(%run_scoped3A : memref<!tpu.dma_semaphore, #tpu.memory_space<semaphore_mem>>) src(%dma_wait3A_44 : memref<1600xf32, #tpu.memory_space<hbm>>) dst(%arg13 : memref<1600xf32, #tpu.memory_space<vmem>>)
        tpu.yield
      }) : () -> ()
      %dma_start3A = arith.constant 0 : i32
      %dma_start3A_23 = arith.constant 0 : i32
      %dma_start3A_24 = tpu.memref_slice %arg2[%dma_start3A, %dma_start3A_23] : memref<10000x128xf32, #tpu.memory_space<hbm>> -> memref<10000x128xf32, #tpu.memory_space<hbm>>
      tpu.enqueue_indirect_dma source(%dma_start3A_24 : memref<10000x128xf32, #tpu.memory_space<hbm>>) target(%arg11 : memref<200x128xf32, #tpu.memory_space<vmem>>) offsets(%arg9 : memref<200xi32, #tpu.memory_space<vmem>>) semaphore(%arg16 : memref<!tpu.dma_semaphore, #tpu.memory_space<semaphore_mem>>)
      %dma_start3A_25 = arith.constant 0 : i32
      %dma_start3A_26 = arith.constant 0 : i32
      %dma_start3A_27 = tpu.memref_slice %arg3[%dma_start3A_25, %dma_start3A_26] : memref<10000x128xf32, #tpu.memory_space<hbm>> -> memref<10000x128xf32, #tpu.memory_space<hbm>>
      tpu.enqueue_indirect_dma source(%dma_start3A_27 : memref<10000x128xf32, #tpu.memory_space<hbm>>) target(%arg12 : memref<200x128xf32, #tpu.memory_space<vmem>>) offsets(%arg10 : memref<200xi32, #tpu.memory_space<vmem>>) semaphore(%arg17 : memref<!tpu.dma_semaphore, #tpu.memory_space<semaphore_mem>>)
      %dma_wait3A = arith.constant 0 : i32
      %dma_wait3A_28 = arith.constant 0 : i32
      %dma_wait3A_29 = tpu.memref_slice %arg2[%dma_wait3A, %dma_wait3A_28] : memref<10000x128xf32, #tpu.memory_space<hbm>> -> memref<10000x128xf32, #tpu.memory_space<hbm>>
      tpu.wait_indirect_dma semaphore(%arg16 : memref<!tpu.dma_semaphore, #tpu.memory_space<semaphore_mem>>) src(%dma_wait3A_29 : memref<10000x128xf32, #tpu.memory_space<hbm>>) dst(%arg11 : memref<200x128xf32, #tpu.memory_space<vmem>>)
      %dma_wait3A_30 = arith.constant 0 : i32
      %dma_wait3A_31 = arith.constant 0 : i32
      %dma_wait3A_32 = tpu.memref_slice %arg3[%dma_wait3A_30, %dma_wait3A_31] : memref<10000x128xf32, #tpu.memory_space<hbm>> -> memref<10000x128xf32, #tpu.memory_space<hbm>>
      tpu.wait_indirect_dma semaphore(%arg17 : memref<!tpu.dma_semaphore, #tpu.memory_space<semaphore_mem>>) src(%dma_wait3A_32 : memref<10000x128xf32, #tpu.memory_space<hbm>>) dst(%arg12 : memref<200x128xf32, #tpu.memory_space<vmem>>)
      %scan3A_33 = arith.constant 0 : i32
      %scan3A_34 = arith.constant 100 : i32
      %scan3A_35 = arith.addi %scan3A_33, %scan3A_34 : i32
      %scan3A_36 = arith.constant 1 : i32
      %scan3A_37 = scf.for %scan3A_41 = %scan3A_33 to %scan3A_35 step %scan3A_36 iter_args(%scan3A_42 = %scan3A_15) -> (vector<16xf32>)  : i32 {
        %mul3A_43 = arith.constant 2 : i32
        %mul3A_44 = arith.muli %mul3A_43, %scan3A_41 : i32
        %add3A_45 = arith.constant 0 : i32
        %add3A_46 = arith.addi %mul3A_44, %add3A_45 : i32
        %get3A = arith.index_cast %add3A_46 : i32 to index
        %get3A_47 = arith.constant 0 : index
        %get3A_48 = tpu.vector_load %arg11[%get3A, %get3A_47] {strides = array<i32>} : memref<200x128xf32, #tpu.memory_space<vmem>>, vector<1x16xf32>,
        %get3A_49 = vector.shape_cast %get3A_48 : vector<1x16xf32> to vector<16xf32>
        %get3A_50 = arith.index_cast %add3A_46 : i32 to index
        %get3A_51 = arith.constant 0 : index
        %get3A_52 = tpu.vector_load %arg12[%get3A_50, %get3A_51] {strides = array<i32>} : memref<200x128xf32, #tpu.memory_space<vmem>>, vector<1x16xf32>,
        %get3A_53 = vector.shape_cast %get3A_52 : vector<1x16xf32> to vector<16xf32>
        %mul3A_54 = arith.mulf %get3A_49, %get3A_53 : vector<16xf32>
        %get3A_55 = arith.index_cast %add3A_46 : i32 to index
        %get3A_56 = arith.constant 16 : index
        %get3A_57 = tpu.vector_load %arg11[%get3A_55, %get3A_56] {strides = array<i32>} : memref<200x128xf32, #tpu.memory_space<vmem>>, vector<1x16xf32>,
        %get3A_58 = vector.shape_cast %get3A_57 : vector<1x16xf32> to vector<16xf32>
        %get3A_59 = arith.index_cast %add3A_46 : i32 to index
        %get3A_60 = arith.constant 16 : index
        %get3A_61 = tpu.vector_load %arg12[%get3A_59, %get3A_60] {strides = array<i32>} : memref<200x128xf32, #tpu.memory_space<vmem>>, vector<1x16xf32>,
        %get3A_62 = vector.shape_cast %get3A_61 : vector<1x16xf32> to vector<16xf32>
        %mul3A_63 = arith.mulf %get3A_58, %get3A_62 : vector<16xf32>
        %add3A_64 = arith.addf %mul3A_54, %mul3A_63 : vector<16xf32>
        %get3A_65 = arith.index_cast %add3A_46 : i32 to index
        %get3A_66 = arith.constant 32 : index
        %get3A_67 = tpu.vector_load %arg11[%get3A_65, %get3A_66] {strides = array<i32>} : memref<200x128xf32, #tpu.memory_space<vmem>>, vector<1x16xf32>,
        %get3A_68 = vector.shape_cast %get3A_67 : vector<1x16xf32> to vector<16xf32>
        %get3A_69 = arith.index_cast %add3A_46 : i32 to index
        %get3A_70 = arith.constant 32 : index
        %get3A_71 = tpu.vector_load %arg12[%get3A_69, %get3A_70] {strides = array<i32>} : memref<200x128xf32, #tpu.memory_space<vmem>>, vector<1x16xf32>,
        %get3A_72 = vector.shape_cast %get3A_71 : vector<1x16xf32> to vector<16xf32>
        %mul3A_73 = arith.mulf %get3A_68, %get3A_72 : vector<16xf32>
        %add3A_74 = arith.addf %add3A_64, %mul3A_73 : vector<16xf32>
        %get3A_75 = arith.index_cast %add3A_46 : i32 to index
        %get3A_76 = arith.constant 48 : index
        %get3A_77 = tpu.vector_load %arg11[%get3A_75, %get3A_76] {strides = array<i32>} : memref<200x128xf32, #tpu.memory_space<vmem>>, vector<1x16xf32>,
        %get3A_78 = vector.shape_cast %get3A_77 : vector<1x16xf32> to vector<16xf32>
        %get3A_79 = arith.index_cast %add3A_46 : i32 to index
        %get3A_80 = arith.constant 48 : index
        %get3A_81 = tpu.vector_load %arg12[%get3A_79, %get3A_80] {strides = array<i32>} : memref<200x128xf32, #tpu.memory_space<vmem>>, vector<1x16xf32>,
        %get3A_82 = vector.shape_cast %get3A_81 : vector<1x16xf32> to vector<16xf32>
        %mul3A_83 = arith.mulf %get3A_78, %get3A_82 : vector<16xf32>
        %add3A_84 = arith.addf %add3A_74, %mul3A_83 : vector<16xf32>
        %get3A_85 = arith.index_cast %add3A_46 : i32 to index
        %get3A_86 = arith.constant 64 : index
        %get3A_87 = tpu.vector_load %arg11[%get3A_85, %get3A_86] {strides = array<i32>} : memref<200x128xf32, #tpu.memory_space<vmem>>, vector<1x16xf32>,
        %get3A_88 = vector.shape_cast %get3A_87 : vector<1x16xf32> to vector<16xf32>
        %get3A_89 = arith.index_cast %add3A_46 : i32 to index
        %get3A_90 = arith.constant 64 : index
        %get3A_91 = tpu.vector_load %arg12[%get3A_89, %get3A_90] {strides = array<i32>} : memref<200x128xf32, #tpu.memory_space<vmem>>, vector<1x16xf32>,
        %get3A_92 = vector.shape_cast %get3A_91 : vector<1x16xf32> to vector<16xf32>
        %mul3A_93 = arith.mulf %get3A_88, %get3A_92 : vector<16xf32>
        %add3A_94 = arith.addf %add3A_84, %mul3A_93 : vector<16xf32>
        %get3A_95 = arith.index_cast %add3A_46 : i32 to index
        %get3A_96 = arith.constant 80 : index
        %get3A_97 = tpu.vector_load %arg11[%get3A_95, %get3A_96] {strides = array<i32>} : memref<200x128xf32, #tpu.memory_space<vmem>>, vector<1x16xf32>,
        %get3A_98 = vector.shape_cast %get3A_97 : vector<1x16xf32> to vector<16xf32>
        %get3A_99 = arith.index_cast %add3A_46 : i32 to index
        %get3A_100 = arith.constant 80 : index
        %get3A_101 = tpu.vector_load %arg12[%get3A_99, %get3A_100] {strides = array<i32>} : memref<200x128xf32, #tpu.memory_space<vmem>>, vector<1x16xf32>,
        %get3A_102 = vector.shape_cast %get3A_101 : vector<1x16xf32> to vector<16xf32>
        %mul3A_103 = arith.mulf %get3A_98, %get3A_102 : vector<16xf32>
        %add3A_104 = arith.addf %add3A_94, %mul3A_103 : vector<16xf32>
        %get3A_105 = arith.index_cast %add3A_46 : i32 to index
        %get3A_106 = arith.constant 96 : index
        %get3A_107 = tpu.vector_load %arg11[%get3A_105, %get3A_106] {strides = array<i32>} : memref<200x128xf32, #tpu.memory_space<vmem>>, vector<1x16xf32>,
        %get3A_108 = vector.shape_cast %get3A_107 : vector<1x16xf32> to vector<16xf32>
        %get3A_109 = arith.index_cast %add3A_46 : i32 to index
        %get3A_110 = arith.constant 96 : index
        %get3A_111 = tpu.vector_load %arg12[%get3A_109, %get3A_110] {strides = array<i32>} : memref<200x128xf32, #tpu.memory_space<vmem>>, vector<1x16xf32>,
        %get3A_112 = vector.shape_cast %get3A_111 : vector<1x16xf32> to vector<16xf32>
        %mul3A_113 = arith.mulf %get3A_108, %get3A_112 : vector<16xf32>
        %add3A_114 = arith.addf %add3A_104, %mul3A_113 : vector<16xf32>
        %get3A_115 = arith.index_cast %add3A_46 : i32 to index
        %get3A_116 = arith.constant 112 : index
        %get3A_117 = tpu.vector_load %arg11[%get3A_115, %get3A_116] {strides = array<i32>} : memref<200x128xf32, #tpu.memory_space<vmem>>, vector<1x16xf32>,
        %get3A_118 = vector.shape_cast %get3A_117 : vector<1x16xf32> to vector<16xf32>
        %get3A_119 = arith.index_cast %add3A_46 : i32 to index
        %get3A_120 = arith.constant 112 : index
        %get3A_121 = tpu.vector_load %arg12[%get3A_119, %get3A_120] {strides = array<i32>} : memref<200x128xf32, #tpu.memory_space<vmem>>, vector<1x16xf32>,
        %get3A_122 = vector.shape_cast %get3A_121 : vector<1x16xf32> to vector<16xf32>
        %mul3A_123 = arith.mulf %get3A_118, %get3A_122 : vector<16xf32>
        %add3A_124 = arith.addf %add3A_114, %mul3A_123 : vector<16xf32>
        %lt3A_125 = arith.constant 0 : i32
        %lt3A_126 = vector.broadcast %lt3A_125 : i32 to vector<16xi32>
        %lt3A_127 = arith.cmpi slt, %xor3A_2, %lt3A_126 : vector<16xi32>
        %add3A_128 = arith.constant 16 : i32
        %add3A_129 = vector.broadcast %add3A_128 : i32 to vector<16xi32>
        %add3A_130 = arith.addi %xor3A_2, %add3A_129 : vector<16xi32>
        %select_n3A = arith.select %lt3A_127, %add3A_130, %xor3A_2 : vector<16xi1>, vector<16xi32>
        %broadcast_in_dim3A_131 = vector.shape_cast %select_n3A : vector<16xi32> to vector<16x1xi32>
        %gather3A = vector.shape_cast %broadcast_in_dim3A_131 : vector<16x1xi32> to vector<16xi32>
        %gather3A_132 = tpu.dynamic_gather %add3A_124[%gather3A] in [0] : vector<16xf32>, vector<16xi32> -> vector<16xf32>
        %add3A_133 = arith.addf %add3A_124, %gather3A_132 : vector<16xf32>
        %mul3A_134 = arith.constant 2 : i32
        %mul3A_135 = arith.muli %mul3A_134, %scan3A_41 : i32
        %add3A_136 = arith.constant 1 : i32
        %add3A_137 = arith.addi %mul3A_135, %add3A_136 : i32
        %get3A_138 = arith.index_cast %add3A_137 : i32 to index
        %get3A_139 = arith.constant 0 : index
        %get3A_140 = tpu.vector_load %arg11[%get3A_138, %get3A_139] {strides = array<i32>} : memref<200x128xf32, #tpu.memory_space<vmem>>, vector<1x16xf32>,
        %get3A_141 = vector.shape_cast %get3A_140 : vector<1x16xf32> to vector<16xf32>
        %get3A_142 = arith.index_cast %add3A_137 : i32 to index
        %get3A_143 = arith.constant 0 : index
        %get3A_144 = tpu.vector_load %arg12[%get3A_142, %get3A_143] {strides = array<i32>} : memref<200x128xf32, #tpu.memory_space<vmem>>, vector<1x16xf32>,
        %get3A_145 = vector.shape_cast %get3A_144 : vector<1x16xf32> to vector<16xf32>
        %mul3A_146 = arith.mulf %get3A_141, %get3A_145 : vector<16xf32>
        %get3A_147 = arith.index_cast %add3A_137 : i32 to index
        %get3A_148 = arith.constant 16 : index
        %get3A_149 = tpu.vector_load %arg11[%get3A_147, %get3A_148] {strides = array<i32>} : memref<200x128xf32, #tpu.memory_space<vmem>>, vector<1x16xf32>,
        %get3A_150 = vector.shape_cast %get3A_149 : vector<1x16xf32> to vector<16xf32>
        %get3A_151 = arith.index_cast %add3A_137 : i32 to index
        %get3A_152 = arith.constant 16 : index
        %get3A_153 = tpu.vector_load %arg12[%get3A_151, %get3A_152] {strides = array<i32>} : memref<200x128xf32, #tpu.memory_space<vmem>>, vector<1x16xf32>,
        %get3A_154 = vector.shape_cast %get3A_153 : vector<1x16xf32> to vector<16xf32>
        %mul3A_155 = arith.mulf %get3A_150, %get3A_154 : vector<16xf32>
        %add3A_156 = arith.addf %mul3A_146, %mul3A_155 : vector<16xf32>
        %get3A_157 = arith.index_cast %add3A_137 : i32 to index
        %get3A_158 = arith.constant 32 : index
        %get3A_159 = tpu.vector_load %arg11[%get3A_157, %get3A_158] {strides = array<i32>} : memref<200x128xf32, #tpu.memory_space<vmem>>, vector<1x16xf32>,
        %get3A_160 = vector.shape_cast %get3A_159 : vector<1x16xf32> to vector<16xf32>
        %get3A_161 = arith.index_cast %add3A_137 : i32 to index
        %get3A_162 = arith.constant 32 : index
        %get3A_163 = tpu.vector_load %arg12[%get3A_161, %get3A_162] {strides = array<i32>} : memref<200x128xf32, #tpu.memory_space<vmem>>, vector<1x16xf32>,
        %get3A_164 = vector.shape_cast %get3A_163 : vector<1x16xf32> to vector<16xf32>
        %mul3A_165 = arith.mulf %get3A_160, %get3A_164 : vector<16xf32>
        %add3A_166 = arith.addf %add3A_156, %mul3A_165 : vector<16xf32>
        %get3A_167 = arith.index_cast %add3A_137 : i32 to index
        %get3A_168 = arith.constant 48 : index
        %get3A_169 = tpu.vector_load %arg11[%get3A_167, %get3A_168] {strides = array<i32>} : memref<200x128xf32, #tpu.memory_space<vmem>>, vector<1x16xf32>,
        %get3A_170 = vector.shape_cast %get3A_169 : vector<1x16xf32> to vector<16xf32>
        %get3A_171 = arith.index_cast %add3A_137 : i32 to index
        %get3A_172 = arith.constant 48 : index
        %get3A_173 = tpu.vector_load %arg12[%get3A_171, %get3A_172] {strides = array<i32>} : memref<200x128xf32, #tpu.memory_space<vmem>>, vector<1x16xf32>,
        %get3A_174 = vector.shape_cast %get3A_173 : vector<1x16xf32> to vector<16xf32>
        %mul3A_175 = arith.mulf %get3A_170, %get3A_174 : vector<16xf32>
        %add3A_176 = arith.addf %add3A_166, %mul3A_175 : vector<16xf32>
        %get3A_177 = arith.index_cast %add3A_137 : i32 to index
        %get3A_178 = arith.constant 64 : index
        %get3A_179 = tpu.vector_load %arg11[%get3A_177, %get3A_178] {strides = array<i32>} : memref<200x128xf32, #tpu.memory_space<vmem>>, vector<1x16xf32>,
        %get3A_180 = vector.shape_cast %get3A_179 : vector<1x16xf32> to vector<16xf32>
        %get3A_181 = arith.index_cast %add3A_137 : i32 to index
        %get3A_182 = arith.constant 64 : index
        %get3A_183 = tpu.vector_load %arg12[%get3A_181, %get3A_182] {strides = array<i32>} : memref<200x128xf32, #tpu.memory_space<vmem>>, vector<1x16xf32>,
        %get3A_184 = vector.shape_cast %get3A_183 : vector<1x16xf32> to vector<16xf32>
        %mul3A_185 = arith.mulf %get3A_180, %get3A_184 : vector<16xf32>
        %add3A_186 = arith.addf %add3A_176, %mul3A_185 : vector<16xf32>
        %get3A_187 = arith.index_cast %add3A_137 : i32 to index
        %get3A_188 = arith.constant 80 : index
        %get3A_189 = tpu.vector_load %arg11[%get3A_187, %get3A_188] {strides = array<i32>} : memref<200x128xf32, #tpu.memory_space<vmem>>, vector<1x16xf32>,
        %get3A_190 = vector.shape_cast %get3A_189 : vector<1x16xf32> to vector<16xf32>
        %get3A_191 = arith.index_cast %add3A_137 : i32 to index
        %get3A_192 = arith.constant 80 : index
        %get3A_193 = tpu.vector_load %arg12[%get3A_191, %get3A_192] {strides = array<i32>} : memref<200x128xf32, #tpu.memory_space<vmem>>, vector<1x16xf32>,
        %get3A_194 = vector.shape_cast %get3A_193 : vector<1x16xf32> to vector<16xf32>
        %mul3A_195 = arith.mulf %get3A_190, %get3A_194 : vector<16xf32>
        %add3A_196 = arith.addf %add3A_186, %mul3A_195 : vector<16xf32>
        %get3A_197 = arith.index_cast %add3A_137 : i32 to index
        %get3A_198 = arith.constant 96 : index
        %get3A_199 = tpu.vector_load %arg11[%get3A_197, %get3A_198] {strides = array<i32>} : memref<200x128xf32, #tpu.memory_space<vmem>>, vector<1x16xf32>,
        %get3A_200 = vector.shape_cast %get3A_199 : vector<1x16xf32> to vector<16xf32>
        %get3A_201 = arith.index_cast %add3A_137 : i32 to index
        %get3A_202 = arith.constant 96 : index
        %get3A_203 = tpu.vector_load %arg12[%get3A_201, %get3A_202] {strides = array<i32>} : memref<200x128xf32, #tpu.memory_space<vmem>>, vector<1x16xf32>,
        %get3A_204 = vector.shape_cast %get3A_203 : vector<1x16xf32> to vector<16xf32>
        %mul3A_205 = arith.mulf %get3A_200, %get3A_204 : vector<16xf32>
        %add3A_206 = arith.addf %add3A_196, %mul3A_205 : vector<16xf32>
        %get3A_207 = arith.index_cast %add3A_137 : i32 to index
        %get3A_208 = arith.constant 112 : index
        %get3A_209 = tpu.vector_load %arg11[%get3A_207, %get3A_208] {strides = array<i32>} : memref<200x128xf32, #tpu.memory_space<vmem>>, vector<1x16xf32>,
        %get3A_210 = vector.shape_cast %get3A_209 : vector<1x16xf32> to vector<16xf32>
        %get3A_211 = arith.index_cast %add3A_137 : i32 to index
        %get3A_212 = arith.constant 112 : index
        %get3A_213 = tpu.vector_load %arg12[%get3A_211, %get3A_212] {strides = array<i32>} : memref<200x128xf32, #tpu.memory_space<vmem>>, vector<1x16xf32>,
        %get3A_214 = vector.shape_cast %get3A_213 : vector<1x16xf32> to vector<16xf32>
        %mul3A_215 = arith.mulf %get3A_210, %get3A_214 : vector<16xf32>
        %add3A_216 = arith.addf %add3A_206, %mul3A_215 : vector<16xf32>
        %lt3A_217 = arith.constant 0 : i32
        %lt3A_218 = vector.broadcast %lt3A_217 : i32 to vector<16xi32>
        %lt3A_219 = arith.cmpi slt, %xor3A_2, %lt3A_218 : vector<16xi32>
        %add3A_220 = arith.constant 16 : i32
        %add3A_221 = vector.broadcast %add3A_220 : i32 to vector<16xi32>
        %add3A_222 = arith.addi %xor3A_2, %add3A_221 : vector<16xi32>
        %select_n3A_223 = arith.select %lt3A_219, %add3A_222, %xor3A_2 : vector<16xi1>, vector<16xi32>
        %broadcast_in_dim3A_224 = vector.shape_cast %select_n3A_223 : vector<16xi32> to vector<16x1xi32>
        %gather3A_225 = vector.shape_cast %broadcast_in_dim3A_224 : vector<16x1xi32> to vector<16xi32>
        %gather3A_226 = tpu.dynamic_gather %add3A_216[%gather3A_225] in [0] : vector<16xf32>, vector<16xi32> -> vector<16xf32>
        %add3A_227 = arith.addf %add3A_216, %gather3A_226 : vector<16xf32>
        %select_n3A_228 = arith.select %lt3A_4, %add3A_133, %add3A_227 : vector<16xi1>, vector<16xf32>
        %mul3A_229 = arith.constant 2.500000e-01 : f32
        %mul3A_230 = vector.broadcast %mul3A_229 : f32 to vector<16xf32>
        %mul3A_231 = arith.mulf %select_n3A_228, %mul3A_230 : vector<16xf32>
        %mul3A_232 = arith.constant 16 : i32
        %mul3A_233 = arith.muli %scan3A_41, %mul3A_232 : i32
        %get3A_234 = arith.index_cast %mul3A_233 : i32 to index
        %get3A_235 = tpu.vector_load %arg13[%get3A_234] {strides = array<i32>} : memref<1600xf32, #tpu.memory_space<vmem>>, vector<16xf32>,
        %get3A_236 = vector.shape_cast %get3A_235 : vector<16xf32> to vector<16xf32>
        %add3A_237 = arith.addf %mul3A_231, %get3A_236 : vector<16xf32>
        %mul3A_238 = arith.constant 16 : i32
        %mul3A_239 = arith.muli %scan3A_41, %mul3A_238 : i32
        %swap3A_240 = arith.index_cast %mul3A_239 : i32 to index
        %swap3A_241 = tpu.vector_load %arg14[%swap3A_240] {strides = array<i32>} : memref<1600xf32, #tpu.memory_space<vmem>>, vector<16xf32>,
        %swap3A_242 = vector.shape_cast %swap3A_241 : vector<16xf32> to vector<16xf32>
        %swap3A_243 = vector.shape_cast %add3A_237 : vector<16xf32> to vector<16xf32>
        tpu.vector_store %arg14[%swap3A_240], %swap3A_243 {strides = array<i32>} : memref<1600xf32, #tpu.memory_space<vmem>>, vector<16xf32>,
        %max3A = arith.maximumf %scan3A_42, %add3A_237 : vector<16xf32>
        scf.yield %max3A : vector<16xf32>
      }
      %scan3A_38 = arith.constant 100 : i32
      %mul3A_39 = arith.constant 8 : i32
      %mul3A_40 = arith.muli %add3A_20, %mul3A_39 : i32
      "tpu.region"() ({
        %run_scoped3A = tpu.sem_alloc : memref<!tpu.dma_semaphore, #tpu.memory_space<semaphore_mem>>
        %dma_start3A_41 = tpu.memref_slice %arg7[%mul3A_40] : memref<2560000xf32, #tpu.memory_space<hbm>> -> memref<1600xf32, #tpu.memory_space<hbm>>
        %dma_start3A_42 = tpu.memref_slice %arg7[%mul3A_40] : memref<2560000xf32, #tpu.memory_space<hbm>> -> memref<1600xf32, #tpu.memory_space<hbm>>
        tpu.enqueue_dma source(%arg14 : memref<1600xf32, #tpu.memory_space<vmem>>) target(%dma_start3A_42 : memref<1600xf32, #tpu.memory_space<hbm>>) target_semaphore(%run_scoped3A : memref<!tpu.dma_semaphore, #tpu.memory_space<semaphore_mem>>)
        %dma_wait3A_43 = tpu.memref_slice %arg7[%mul3A_40] : memref<2560000xf32, #tpu.memory_space<hbm>> -> memref<1600xf32, #tpu.memory_space<hbm>>
        %dma_wait3A_44 = tpu.memref_slice %arg7[%mul3A_40] : memref<2560000xf32, #tpu.memory_space<hbm>> -> memref<1600xf32, #tpu.memory_space<hbm>>
        tpu.wait_dma2 semaphore(%run_scoped3A : memref<!tpu.dma_semaphore, #tpu.memory_space<semaphore_mem>>) src(%arg14 : memref<1600xf32, #tpu.memory_space<vmem>>) dst(%dma_wait3A_44 : memref<1600xf32, #tpu.memory_space<hbm>>)
        tpu.yield
      }) : () -> ()
      scf.yield %scan3A_37 : vector<16xf32>
    }
    %scan3A_10 = arith.constant 50 : i32
    %swap3A = arith.constant 0 : index
    %swap3A_11 = tpu.vector_load %arg15[%swap3A] {strides = array<i32>} : memref<16xf32, #tpu.memory_space<vmem>>, vector<16xf32>,
    %swap3A_12 = vector.shape_cast %swap3A_11 : vector<16xf32> to vector<16xf32>
    %swap3A_13 = vector.shape_cast %scan3A_9 : vector<16xf32> to vector<16xf32>
    tpu.vector_store %arg15[%swap3A], %swap3A_13 {strides = array<i32>} : memref<16xf32, #tpu.memory_space<vmem>>, vector<16xf32>,
    "tpu.region"() ({
      %run_scoped3A = tpu.sem_alloc : memref<!tpu.dma_semaphore, #tpu.memory_space<semaphore_mem>>
      %dma_start3A = arith.constant 0 : i32
      %dma_start3A_14 = tpu.memref_slice %arg8[%add3A, %dma_start3A] : memref<32x16xf32, #tpu.memory_space<hbm>> -> memref<1x16xf32, #tpu.memory_space<hbm>>
      %dma_start3A_15 = tpu.memref_squeeze %dma_start3A_14 : memref<1x16xf32, #tpu.memory_space<hbm>> -> memref<16xf32, #tpu.memory_space<hbm>>
      %dma_start3A_16 = arith.constant 0 : i32
      %dma_start3A_17 = tpu.memref_slice %arg8[%add3A, %dma_start3A_16] : memref<32x16xf32, #tpu.memory_space<hbm>> -> memref<1x16xf32, #tpu.memory_space<hbm>>
      %dma_start3A_18 = tpu.memref_squeeze %dma_start3A_17 : memref<1x16xf32, #tpu.memory_space<hbm>> -> memref<16xf32, #tpu.memory_space<hbm>>
      tpu.enqueue_dma source(%arg15 : memref<16xf32, #tpu.memory_space<vmem>>) target(%dma_start3A_18 : memref<16xf32, #tpu.memory_space<hbm>>) target_semaphore(%run_scoped3A : memref<!tpu.dma_semaphore, #tpu.memory_space<semaphore_mem>>)
      %dma_wait3A = arith.constant 0 : i32
      %dma_wait3A_19 = tpu.memref_slice %arg8[%add3A, %dma_wait3A] : memref<32x16xf32, #tpu.memory_space<hbm>> -> memref<1x16xf32, #tpu.memory_space<hbm>>
      %dma_wait3A_20 = tpu.memref_squeeze %dma_wait3A_19 : memref<1x16xf32, #tpu.memory_space<hbm>> -> memref<16xf32, #tpu.memory_space<hbm>>
      %dma_wait3A_21 = arith.constant 0 : i32
      %dma_wait3A_22 = tpu.memref_slice %arg8[%add3A, %dma_wait3A_21] : memref<32x16xf32, #tpu.memory_space<hbm>> -> memref<1x16xf32, #tpu.memory_space<hbm>>
      %dma_wait3A_23 = tpu.memref_squeeze %dma_wait3A_22 : memref<1x16xf32, #tpu.memory_space<hbm>> -> memref<16xf32, #tpu.memory_space<hbm>>
      tpu.wait_dma2 semaphore(%run_scoped3A : memref<!tpu.dma_semaphore, #tpu.memory_space<semaphore_mem>>) src(%arg15 : memref<16xf32, #tpu.memory_space<vmem>>) dst(%dma_wait3A_23 : memref<16xf32, #tpu.memory_space<hbm>>)
      tpu.yield
    }) : () -> ()
    return
  }
}

module attributes {stable_mosaic.version = 14 : i64} {
  func.func @_edge_self_body(%arg0: i32, %arg1: memref<2000x128xf32, #tpu.memory_space<vmem>>, %arg2: memref<128x128xf32, #tpu.memory_space<vmem>>, %arg3: memref<128xf32, #tpu.memory_space<vmem>>, %arg4: memref<128x8xf32, #tpu.memory_space<vmem>>, %arg5: memref<2000x8xf32, #tpu.memory_space<vmem>>) attributes {dimension_semantics = [#tpu.dimension_semantics<arbitrary>], iteration_bounds = array<i64: 160>, scalar_prefetch = 0 : i64, scratch_operands = 0 : i64, tpu.core_type = #tpu.core_type<tc>, window_params = [{transform_indices = @transform_0, window_bounds = array<i64: 2000, 128>}, {pipeline_mode = #tpu.pipeline_mode<synchronous>, transform_indices = @transform_1, window_bounds = array<i64: 128, 128>}, {pipeline_mode = #tpu.pipeline_mode<synchronous>, transform_indices = @transform_2, window_bounds = array<i64: 128>}, {pipeline_mode = #tpu.pipeline_mode<synchronous>, transform_indices = @transform_3, window_bounds = array<i64: 128, 8>}, {transform_indices = @transform_4, window_bounds = array<i64: 2000, 8>}]} {
    %get3A = arith.constant 0 : index
    %get3A_0 = arith.constant 0 : index
    %get3A_1 = vector.load %arg1[%get3A, %get3A_0] : memref<2000x128xf32, #tpu.memory_space<vmem>>, vector<2000x128xf32>
    %get3A_2 = arith.constant 0 : index
    %get3A_3 = arith.constant 0 : index
    %get3A_4 = vector.load %arg2[%get3A_2, %get3A_3] : memref<128x128xf32, #tpu.memory_space<vmem>>, vector<128x128xf32>
    %dot_general3A = arith.constant dense<0.000000e+00> : vector<2000x128xf32>
    %dot_general3A_5 = tpu.matmul %get3A_1, %get3A_4, %dot_general3A {dimension_numbers = #tpu.dot_dimension_numbers<[1], [0], [0], [1], [0, 0, 1, 1], [], []>, transpose_lhs_hint = false} : vector<2000x128xf32>, vector<128x128xf32>, vector<2000x128xf32> -> vector<2000x128xf32>
    %get3A_6 = arith.constant 0 : index
    %get3A_7 = vector.load %arg3[%get3A_6] : memref<128xf32, #tpu.memory_space<vmem>>, vector<128xf32>
    %broadcast_in_dim3A = vector.shape_cast %get3A_7 : vector<128xf32> to vector<1x128xf32>
    %add3A = vector.broadcast %broadcast_in_dim3A : vector<1x128xf32> to vector<2000x128xf32>
    %add3A_8 = arith.addf %dot_general3A_5, %add3A : vector<2000x128xf32>
    %mul3A = arith.mulf %add3A_8, %get3A_1 : vector<2000x128xf32>
    %get3A_9 = arith.constant 0 : index
    %get3A_10 = arith.constant 0 : index
    %get3A_11 = vector.load %arg4[%get3A_9, %get3A_10] : memref<128x8xf32, #tpu.memory_space<vmem>>, vector<128x8xf32>
    %dot_general3A_12 = arith.constant dense<0.000000e+00> : vector<2000x8xf32>
    %dot_general3A_13 = tpu.matmul %mul3A, %get3A_11, %dot_general3A_12 {dimension_numbers = #tpu.dot_dimension_numbers<[1], [0], [0], [1], [0, 0, 1, 1], [], []>, transpose_lhs_hint = false} : vector<2000x128xf32>, vector<128x8xf32>, vector<2000x8xf32> -> vector<2000x8xf32>
    %mul3A_14 = arith.constant 2.500000e-01 : f32
    %mul3A_15 = vector.broadcast %mul3A_14 : f32 to vector<2000x8xf32>
    %mul3A_16 = arith.mulf %dot_general3A_13, %mul3A_15 : vector<2000x8xf32>
    %swap3A = arith.constant 0 : index
    %swap3A_17 = arith.constant 0 : index
    %swap3A_18 = vector.load %arg5[%swap3A, %swap3A_17] : memref<2000x8xf32, #tpu.memory_space<vmem>>, vector<2000x8xf32>
    tpu.vector_store %arg5[%swap3A, %swap3A_17], %mul3A_16 {strides = array<i32>} : memref<2000x8xf32, #tpu.memory_space<vmem>>, vector<2000x8xf32>,
    return
  }
  func.func @transform_0(%arg0: i32) -> (i32, i32) {
    %c0_i32 = arith.constant 0 : i32
    %c0_i32_0 = arith.constant 0 : i32
    return %arg0, %c0_i32 : i32, i32
  }
  func.func @transform_1(%arg0: i32) -> (i32, i32) {
    %c0_i32 = arith.constant 0 : i32
    %c0_i32_0 = arith.constant 0 : i32
    %c0_i32_1 = arith.constant 0 : i32
    return %c0_i32, %c0_i32_0 : i32, i32
  }
  func.func @transform_2(%arg0: i32) -> i32 {
    %c0_i32 = arith.constant 0 : i32
    %c0_i32_0 = arith.constant 0 : i32
    return %c0_i32 : i32
  }
  func.func @transform_3(%arg0: i32) -> (i32, i32) {
    %c0_i32 = arith.constant 0 : i32
    %c0_i32_0 = arith.constant 0 : i32
    %c0_i32_1 = arith.constant 0 : i32
    return %c0_i32, %c0_i32_0 : i32, i32
  }
  func.func @transform_4(%arg0: i32) -> (i32, i32) {
    %c0_i32 = arith.constant 0 : i32
    %c0_i32_0 = arith.constant 0 : i32
    return %arg0, %c0_i32 : i32, i32
  }
}

module attributes {stable_mosaic.version = 14 : i64} {
  func.func @_node_proj_body(%arg0: i32, %arg1: memref<400x128xf32, #tpu.memory_space<vmem>>, %arg2: memref<128x128xf32, #tpu.memory_space<vmem>>, %arg3: memref<128xf32, #tpu.memory_space<vmem>>, %arg4: memref<128x128xf32, #tpu.memory_space<vmem>>, %arg5: memref<128xf32, #tpu.memory_space<vmem>>, %arg6: memref<128x128xf32, #tpu.memory_space<vmem>>, %arg7: memref<128xf32, #tpu.memory_space<vmem>>, %arg8: memref<400x128xf32, #tpu.memory_space<vmem>>, %arg9: memref<400x128xf32, #tpu.memory_space<vmem>>, %arg10: memref<400x128xf32, #tpu.memory_space<vmem>>) attributes {dimension_semantics = [#tpu.dimension_semantics<arbitrary>], iteration_bounds = array<i64: 25>, scalar_prefetch = 0 : i64, scratch_operands = 0 : i64, tpu.core_type = #tpu.core_type<tc>, window_params = [{transform_indices = @transform_0, window_bounds = array<i64: 400, 128>}, {pipeline_mode = #tpu.pipeline_mode<synchronous>, transform_indices = @transform_1, window_bounds = array<i64: 128, 128>}, {pipeline_mode = #tpu.pipeline_mode<synchronous>, transform_indices = @transform_2, window_bounds = array<i64: 128>}, {pipeline_mode = #tpu.pipeline_mode<synchronous>, transform_indices = @transform_3, window_bounds = array<i64: 128, 128>}, {pipeline_mode = #tpu.pipeline_mode<synchronous>, transform_indices = @transform_4, window_bounds = array<i64: 128>}, {pipeline_mode = #tpu.pipeline_mode<synchronous>, transform_indices = @transform_5, window_bounds = array<i64: 128, 128>}, {pipeline_mode = #tpu.pipeline_mode<synchronous>, transform_indices = @transform_6, window_bounds = array<i64: 128>}, {transform_indices = @transform_7, window_bounds = array<i64: 400, 128>}, {transform_indices = @transform_8, window_bounds = array<i64: 400, 128>}, {transform_indices = @transform_9, window_bounds = array<i64: 400, 128>}]} {
    %get3A = arith.constant 0 : index
    %get3A_0 = arith.constant 0 : index
    %get3A_1 = vector.load %arg1[%get3A, %get3A_0] : memref<400x128xf32, #tpu.memory_space<vmem>>, vector<400x128xf32>
    %get3A_2 = arith.constant 0 : index
    %get3A_3 = arith.constant 0 : index
    %get3A_4 = vector.load %arg2[%get3A_2, %get3A_3] : memref<128x128xf32, #tpu.memory_space<vmem>>, vector<128x128xf32>
    %dot_general3A = arith.constant dense<0.000000e+00> : vector<400x128xf32>
    %dot_general3A_5 = tpu.matmul %get3A_1, %get3A_4, %dot_general3A {dimension_numbers = #tpu.dot_dimension_numbers<[1], [0], [0], [1], [0, 0, 1, 1], [], []>, transpose_lhs_hint = false} : vector<400x128xf32>, vector<128x128xf32>, vector<400x128xf32> -> vector<400x128xf32>
    %get3A_6 = arith.constant 0 : index
    %get3A_7 = vector.load %arg3[%get3A_6] : memref<128xf32, #tpu.memory_space<vmem>>, vector<128xf32>
    %broadcast_in_dim3A = vector.shape_cast %get3A_7 : vector<128xf32> to vector<1x128xf32>
    %add3A = vector.broadcast %broadcast_in_dim3A : vector<1x128xf32> to vector<400x128xf32>
    %add3A_8 = arith.addf %dot_general3A_5, %add3A : vector<400x128xf32>
    %swap3A = arith.constant 0 : index
    %swap3A_9 = arith.constant 0 : index
    %swap3A_10 = vector.load %arg8[%swap3A, %swap3A_9] : memref<400x128xf32, #tpu.memory_space<vmem>>, vector<400x128xf32>
    tpu.vector_store %arg8[%swap3A, %swap3A_9], %add3A_8 {strides = array<i32>} : memref<400x128xf32, #tpu.memory_space<vmem>>, vector<400x128xf32>,
    %get3A_11 = arith.constant 0 : index
    %get3A_12 = arith.constant 0 : index
    %get3A_13 = vector.load %arg4[%get3A_11, %get3A_12] : memref<128x128xf32, #tpu.memory_space<vmem>>, vector<128x128xf32>
    %dot_general3A_14 = arith.constant dense<0.000000e+00> : vector<400x128xf32>
    %dot_general3A_15 = tpu.matmul %get3A_1, %get3A_13, %dot_general3A_14 {dimension_numbers = #tpu.dot_dimension_numbers<[1], [0], [0], [1], [0, 0, 1, 1], [], []>, transpose_lhs_hint = false} : vector<400x128xf32>, vector<128x128xf32>, vector<400x128xf32> -> vector<400x128xf32>
    %get3A_16 = arith.constant 0 : index
    %get3A_17 = vector.load %arg5[%get3A_16] : memref<128xf32, #tpu.memory_space<vmem>>, vector<128xf32>
    %broadcast_in_dim3A_18 = vector.shape_cast %get3A_17 : vector<128xf32> to vector<1x128xf32>
    %add3A_19 = vector.broadcast %broadcast_in_dim3A_18 : vector<1x128xf32> to vector<400x128xf32>
    %add3A_20 = arith.addf %dot_general3A_15, %add3A_19 : vector<400x128xf32>
    %swap3A_21 = arith.constant 0 : index
    %swap3A_22 = arith.constant 0 : index
    %swap3A_23 = vector.load %arg9[%swap3A_21, %swap3A_22] : memref<400x128xf32, #tpu.memory_space<vmem>>, vector<400x128xf32>
    tpu.vector_store %arg9[%swap3A_21, %swap3A_22], %add3A_20 {strides = array<i32>} : memref<400x128xf32, #tpu.memory_space<vmem>>, vector<400x128xf32>,
    %get3A_24 = arith.constant 0 : index
    %get3A_25 = arith.constant 0 : index
    %get3A_26 = vector.load %arg6[%get3A_24, %get3A_25] : memref<128x128xf32, #tpu.memory_space<vmem>>, vector<128x128xf32>
    %dot_general3A_27 = arith.constant dense<0.000000e+00> : vector<400x128xf32>
    %dot_general3A_28 = tpu.matmul %get3A_1, %get3A_26, %dot_general3A_27 {dimension_numbers = #tpu.dot_dimension_numbers<[1], [0], [0], [1], [0, 0, 1, 1], [], []>, transpose_lhs_hint = false} : vector<400x128xf32>, vector<128x128xf32>, vector<400x128xf32> -> vector<400x128xf32>
    %get3A_29 = arith.constant 0 : index
    %get3A_30 = vector.load %arg7[%get3A_29] : memref<128xf32, #tpu.memory_space<vmem>>, vector<128xf32>
    %broadcast_in_dim3A_31 = vector.shape_cast %get3A_30 : vector<128xf32> to vector<1x128xf32>
    %add3A_32 = vector.broadcast %broadcast_in_dim3A_31 : vector<1x128xf32> to vector<400x128xf32>
    %add3A_33 = arith.addf %dot_general3A_28, %add3A_32 : vector<400x128xf32>
    %mul3A = arith.mulf %add3A_33, %get3A_1 : vector<400x128xf32>
    %swap3A_34 = arith.constant 0 : index
    %swap3A_35 = arith.constant 0 : index
    %swap3A_36 = vector.load %arg10[%swap3A_34, %swap3A_35] : memref<400x128xf32, #tpu.memory_space<vmem>>, vector<400x128xf32>
    tpu.vector_store %arg10[%swap3A_34, %swap3A_35], %mul3A {strides = array<i32>} : memref<400x128xf32, #tpu.memory_space<vmem>>, vector<400x128xf32>,
    return
  }
  func.func @transform_0(%arg0: i32) -> (i32, i32) {
    %c0_i32 = arith.constant 0 : i32
    %c0_i32_0 = arith.constant 0 : i32
    return %arg0, %c0_i32 : i32, i32
  }
  func.func @transform_1(%arg0: i32) -> (i32, i32) {
    %c0_i32 = arith.constant 0 : i32
    %c0_i32_0 = arith.constant 0 : i32
    %c0_i32_1 = arith.constant 0 : i32
    return %c0_i32, %c0_i32_0 : i32, i32
  }
  func.func @transform_2(%arg0: i32) -> i32 {
    %c0_i32 = arith.constant 0 : i32
    %c0_i32_0 = arith.constant 0 : i32
    return %c0_i32 : i32
  }
  func.func @transform_3(%arg0: i32) -> (i32, i32) {
    %c0_i32 = arith.constant 0 : i32
    %c0_i32_0 = arith.constant 0 : i32
    %c0_i32_1 = arith.constant 0 : i32
    return %c0_i32, %c0_i32_0 : i32, i32
  }
  func.func @transform_4(%arg0: i32) -> i32 {
    %c0_i32 = arith.constant 0 : i32
    %c0_i32_0 = arith.constant 0 : i32
    return %c0_i32 : i32
  }
  func.func @transform_5(%arg0: i32) -> (i32, i32) {
    %c0_i32 = arith.constant 0 : i32
    %c0_i32_0 = arith.constant 0 : i32
    %c0_i32_1 = arith.constant 0 : i32
    return %c0_i32, %c0_i32_0 : i32, i32
  }
  func.func @transform_6(%arg0: i32) -> i32 {
    %c0_i32 = arith.constant 0 : i32
    %c0_i32_0 = arith.constant 0 : i32
    return %c0_i32 : i32
  }
  func.func @transform_7(%arg0: i32) -> (i32, i32) {
    %c0_i32 = arith.constant 0 : i32
    %c0_i32_0 = arith.constant 0 : i32
    return %arg0, %c0_i32 : i32, i32
  }
  func.func @transform_8(%arg0: i32) -> (i32, i32) {
    %c0_i32 = arith.constant 0 : i32
    %c0_i32_0 = arith.constant 0 : i32
    return %arg0, %c0_i32 : i32, i32
  }
  func.func @transform_9(%arg0: i32) -> (i32, i32) {
    %c0_i32 = arith.constant 0 : i32
    %c0_i32_0 = arith.constant 0 : i32
    return %arg0, %c0_i32 : i32, i32
  }
}

module attributes {stable_mosaic.version = 14 : i64} {
  func.func @_edge_out_body(%arg0: i32, %arg1: memref<2000x8xf32, #tpu.memory_space<vmem>>, %arg2: memref<8x128xf32, #tpu.memory_space<vmem>>, %arg3: memref<128xf32, #tpu.memory_space<vmem>>, %arg4: memref<2000x128xf32, #tpu.memory_space<vmem>>) attributes {dimension_semantics = [#tpu.dimension_semantics<arbitrary>], iteration_bounds = array<i64: 160>, scalar_prefetch = 0 : i64, scratch_operands = 0 : i64, tpu.core_type = #tpu.core_type<tc>, window_params = [{transform_indices = @transform_0, window_bounds = array<i64: 2000, 8>}, {pipeline_mode = #tpu.pipeline_mode<synchronous>, transform_indices = @transform_1, window_bounds = array<i64: 8, 128>}, {pipeline_mode = #tpu.pipeline_mode<synchronous>, transform_indices = @transform_2, window_bounds = array<i64: 128>}, {transform_indices = @transform_3, window_bounds = array<i64: 2000, 128>}]} {
    %get3A = arith.constant 0 : index
    %get3A_0 = arith.constant 0 : index
    %get3A_1 = vector.load %arg1[%get3A, %get3A_0] : memref<2000x8xf32, #tpu.memory_space<vmem>>, vector<2000x8xf32>
    %get3A_2 = arith.constant 0 : index
    %get3A_3 = arith.constant 0 : index
    %get3A_4 = vector.load %arg2[%get3A_2, %get3A_3] : memref<8x128xf32, #tpu.memory_space<vmem>>, vector<8x128xf32>
    %dot_general3A = arith.constant dense<0.000000e+00> : vector<2000x128xf32>
    %dot_general3A_5 = tpu.matmul %get3A_1, %get3A_4, %dot_general3A {dimension_numbers = #tpu.dot_dimension_numbers<[1], [0], [0], [1], [0, 0, 1, 1], [], []>, transpose_lhs_hint = false} : vector<2000x8xf32>, vector<8x128xf32>, vector<2000x128xf32> -> vector<2000x128xf32>
    %get3A_6 = arith.constant 0 : index
    %get3A_7 = vector.load %arg3[%get3A_6] : memref<128xf32, #tpu.memory_space<vmem>>, vector<128xf32>
    %broadcast_in_dim3A = vector.shape_cast %get3A_7 : vector<128xf32> to vector<1x128xf32>
    %add3A = vector.broadcast %broadcast_in_dim3A : vector<1x128xf32> to vector<2000x128xf32>
    %add3A_8 = arith.addf %dot_general3A_5, %add3A : vector<2000x128xf32>
    %swap3A = arith.constant 0 : index
    %swap3A_9 = arith.constant 0 : index
    %swap3A_10 = vector.load %arg4[%swap3A, %swap3A_9] : memref<2000x128xf32, #tpu.memory_space<vmem>>, vector<2000x128xf32>
    tpu.vector_store %arg4[%swap3A, %swap3A_9], %add3A_8 {strides = array<i32>} : memref<2000x128xf32, #tpu.memory_space<vmem>>, vector<2000x128xf32>,
    return
  }
  func.func @transform_0(%arg0: i32) -> (i32, i32) {
    %c0_i32 = arith.constant 0 : i32
    %c0_i32_0 = arith.constant 0 : i32
    return %arg0, %c0_i32 : i32, i32
  }
  func.func @transform_1(%arg0: i32) -> (i32, i32) {
    %c0_i32 = arith.constant 0 : i32
    %c0_i32_0 = arith.constant 0 : i32
    %c0_i32_1 = arith.constant 0 : i32
    return %c0_i32, %c0_i32_0 : i32, i32
  }
  func.func @transform_2(%arg0: i32) -> i32 {
    %c0_i32 = arith.constant 0 : i32
    %c0_i32_0 = arith.constant 0 : i32
    return %c0_i32 : i32
  }
  func.func @transform_3(%arg0: i32) -> (i32, i32) {
    %c0_i32 = arith.constant 0 : i32
    %c0_i32_0 = arith.constant 0 : i32
    return %arg0, %c0_i32 : i32, i32
  }
}

module attributes {stable_mosaic.version = 14 : i64} {
  func.func @_node_out_body(%arg0: i32, %arg1: memref<400x128xf32, #tpu.memory_space<vmem>>, %arg2: memref<400x16xf32, #tpu.memory_space<vmem>>, %arg3: memref<400x16xf32, #tpu.memory_space<vmem>>, %arg4: memref<16x128xf32, #tpu.memory_space<vmem>>, %arg5: memref<128x128xf32, #tpu.memory_space<vmem>>, %arg6: memref<128xf32, #tpu.memory_space<vmem>>, %arg7: memref<400x128xf32, #tpu.memory_space<vmem>>) attributes {dimension_semantics = [#tpu.dimension_semantics<arbitrary>], iteration_bounds = array<i64: 25>, scalar_prefetch = 0 : i64, scratch_operands = 0 : i64, tpu.core_type = #tpu.core_type<tc>, window_params = [{transform_indices = @transform_0, window_bounds = array<i64: 400, 128>}, {transform_indices = @transform_1, window_bounds = array<i64: 400, 16>}, {transform_indices = @transform_2, window_bounds = array<i64: 400, 16>}, {pipeline_mode = #tpu.pipeline_mode<synchronous>, transform_indices = @transform_3, window_bounds = array<i64: 16, 128>}, {pipeline_mode = #tpu.pipeline_mode<synchronous>, transform_indices = @transform_4, window_bounds = array<i64: 128, 128>}, {pipeline_mode = #tpu.pipeline_mode<synchronous>, transform_indices = @transform_5, window_bounds = array<i64: 128>}, {transform_indices = @transform_6, window_bounds = array<i64: 400, 128>}]} {
    %get3A = arith.constant 0 : index
    %get3A_0 = arith.constant 0 : index
    %get3A_1 = vector.load %arg2[%get3A, %get3A_0] : memref<400x16xf32, #tpu.memory_space<vmem>>, vector<400x16xf32>
    %get3A_2 = arith.constant 0 : index
    %get3A_3 = arith.constant 0 : index
    %get3A_4 = vector.load %arg3[%get3A_2, %get3A_3] : memref<400x16xf32, #tpu.memory_space<vmem>>, vector<400x16xf32>
    %add3A = arith.addf %get3A_1, %get3A_4 : vector<400x16xf32>
    %add3A_5 = arith.constant 9.99999996E-13 : f32
    %add3A_6 = vector.broadcast %add3A_5 : f32 to vector<400x16xf32>
    %add3A_7 = arith.addf %add3A, %add3A_6 : vector<400x16xf32>
    %div3A = arith.constant 1.000000e+00 : f32
    %div3A_8 = vector.broadcast %div3A : f32 to vector<400x16xf32>
    %div3A_9 = arith.divf %div3A_8, %add3A_7 : vector<400x16xf32>
    %get3A_10 = arith.constant 0 : index
    %get3A_11 = arith.constant 0 : index
    %get3A_12 = vector.load %arg4[%get3A_10, %get3A_11] : memref<16x128xf32, #tpu.memory_space<vmem>>, vector<16x128xf32>
    %dot_general3A = arith.constant dense<0.000000e+00> : vector<400x128xf32>
    %dot_general3A_13 = tpu.matmul %div3A_9, %get3A_12, %dot_general3A {dimension_numbers = #tpu.dot_dimension_numbers<[1], [0], [0], [1], [0, 0, 1, 1], [], []>, transpose_lhs_hint = false} : vector<400x16xf32>, vector<16x128xf32>, vector<400x128xf32> -> vector<400x128xf32>
    %get3A_14 = arith.constant 0 : index
    %get3A_15 = arith.constant 0 : index
    %get3A_16 = vector.load %arg1[%get3A_14, %get3A_15] : memref<400x128xf32, #tpu.memory_space<vmem>>, vector<400x128xf32>
    %mul3A = arith.mulf %get3A_16, %dot_general3A_13 : vector<400x128xf32>
    %get3A_17 = arith.constant 0 : index
    %get3A_18 = arith.constant 0 : index
    %get3A_19 = vector.load %arg5[%get3A_17, %get3A_18] : memref<128x128xf32, #tpu.memory_space<vmem>>, vector<128x128xf32>
    %dot_general3A_20 = arith.constant dense<0.000000e+00> : vector<400x128xf32>
    %dot_general3A_21 = tpu.matmul %mul3A, %get3A_19, %dot_general3A_20 {dimension_numbers = #tpu.dot_dimension_numbers<[1], [0], [0], [1], [0, 0, 1, 1], [], []>, transpose_lhs_hint = false} : vector<400x128xf32>, vector<128x128xf32>, vector<400x128xf32> -> vector<400x128xf32>
    %get3A_22 = arith.constant 0 : index
    %get3A_23 = vector.load %arg6[%get3A_22] : memref<128xf32, #tpu.memory_space<vmem>>, vector<128xf32>
    %broadcast_in_dim3A = vector.shape_cast %get3A_23 : vector<128xf32> to vector<1x128xf32>
    %add3A_24 = vector.broadcast %broadcast_in_dim3A : vector<1x128xf32> to vector<400x128xf32>
    %add3A_25 = arith.addf %dot_general3A_21, %add3A_24 : vector<400x128xf32>
    %swap3A = arith.constant 0 : index
    %swap3A_26 = arith.constant 0 : index
    %swap3A_27 = vector.load %arg7[%swap3A, %swap3A_26] : memref<400x128xf32, #tpu.memory_space<vmem>>, vector<400x128xf32>
    tpu.vector_store %arg7[%swap3A, %swap3A_26], %add3A_25 {strides = array<i32>} : memref<400x128xf32, #tpu.memory_space<vmem>>, vector<400x128xf32>,
    return
  }
  func.func @transform_0(%arg0: i32) -> (i32, i32) {
    %c0_i32 = arith.constant 0 : i32
    %c0_i32_0 = arith.constant 0 : i32
    return %arg0, %c0_i32 : i32, i32
  }
  func.func @transform_1(%arg0: i32) -> (i32, i32) {
    %c0_i32 = arith.constant 0 : i32
    %c0_i32_0 = arith.constant 0 : i32
    return %arg0, %c0_i32 : i32, i32
  }
  func.func @transform_2(%arg0: i32) -> (i32, i32) {
    %c0_i32 = arith.constant 0 : i32
    %c0_i32_0 = arith.constant 0 : i32
    return %arg0, %c0_i32 : i32, i32
  }
  func.func @transform_3(%arg0: i32) -> (i32, i32) {
    %c0_i32 = arith.constant 0 : i32
    %c0_i32_0 = arith.constant 0 : i32
    %c0_i32_1 = arith.constant 0 : i32
    return %c0_i32, %c0_i32_0 : i32, i32
  }
  func.func @transform_4(%arg0: i32) -> (i32, i32) {
    %c0_i32 = arith.constant 0 : i32
    %c0_i32_0 = arith.constant 0 : i32
    %c0_i32_1 = arith.constant 0 : i32
    return %c0_i32, %c0_i32_0 : i32, i32
  }
  func.func @transform_5(%arg0: i32) -> i32 {
    %c0_i32 = arith.constant 0 : i32
    %c0_i32_0 = arith.constant 0 : i32
    return %c0_i32 : i32
  }
  func.func @transform_6(%arg0: i32) -> (i32, i32) {
    %c0_i32 = arith.constant 0 : i32
    %c0_i32_0 = arith.constant 0 : i32
    return %arg0, %c0_i32 : i32, i32
  }
}

</mosaic_0001>

<sc_bundles>
// kernel: kernel.7.cloned.1.call-start
scs
__scs_entry_jumppad:
0x0: {  	(pc) =	sbr.rel $0x88, $3  }
0x1: {  	(tag) =	ssettag $0x0;
	lr =	simm.s32 $0x1  }
0x2: {  	[smem:$0x3F92] =	sst lr;
	_ =	strace $0xD0000000  }
0x3: {  	_ = 	snop  }
0x4: {  	_ = 	snop  }
0x5: {  	_ = 	snop  }
0x6: {  	_ = 	snop  }
0x7: {  	_ = 	snop  }
__scs_overlays_trampoline_lowered:
0x8: {  	[smem:$0x3FA1] =	sst s0  }
0x9: {  	[smem:$0x3FA2] =	sst s1  }
0xa: {  	[smem:$0x3FA3] =	sst s2  }
0xb: {  	[smem:$0x3FA4] =	sst s3  }
0xc: {  	[smem:$0x3FA5] =	sst s4  }
0xd: {  	[smem:$0x3FA6] =	sst s5  }
0xe: {  	[smem:$0x3FA7] =	sst s6  }
0xf: {  	[smem:$0x3FA8] =	sst s7  }
0x10: {  	[smem:$0x3FA9] =	sst s8  }
0x11: {  	[smem:$0x3FAA] =	sst s9;
	s0 =	simm.s32 @!p0 $0x0  }
0x12: {  	s1 =	sld [smem:$0x3F90];
	s0 =	simm.s32 @p0 $0x1  }
0x13: {  	[smem:$0x3FAB] =	sst s0;
	s0 =	simm.s32 @!p1 $0x0  }
0x14: {  	s2 =	sld [smem:$0x3F8F];
	s0 =	simm.s32 @p1 $0x1  }
0x15: {  	[smem:$0x3FAC] =	sst s0;
	s0 =	simm.s32 @!p2 $0x0  }
0x16: {  	s3 =	sld [smem:$0x3FDB];
	s0 =	simm.s32 @p2 $0x1  }
0x17: {  	s4 =	simm.s32 $0x1BF5;
	[smem:$0x3FAE] =	sst s0  }
0x18: {  	s0 =	sld [smem:$0x3F91];
	_ =	swait.ge [sflag:s4], $0x0  }
0x19: {  	s7 =	sld [smem:$0x3F92]  }
0x1a: {  	s8 =	sadd.s32 $0xFFFFE003, lr  }
0x1b: {  	s9 =	sadd.s32 $0xFFFFFEF7, lr;
	s5 =	simm.s32 $0xFFFFFFFF;
	p2 =	slt.u32 s8, $0xFFFFF086  }
0x1c: {  	p1 =	slt.u32 s9, $0xF7A;
	s5 =	simm.s32 @!p2 $0x0  }
0x1d: {  	s5 =	simm.s32 @p1 $0x1;
	p0 =	seq.s32 s7, s2  }
0x1e: {  	s7 =	smul.u32 @!p0 $0xF7A, s2;
	p2 =	seq.s32 @!p0 s5, $0x0  }
0x1f: {  	s9 =	smul.u32 $0xF7A, s1;
	s8 =	simm.s32 @!p0 $0x1BF5;
	p2 =	por !p2, p0  }
0x20: {  	[sflag:s8] =	ssyncset.s32 @!p0 $0xFFFFF086;
	s6 =	sadd.s32 @!p0 s3, s7;
	s7 =	simm.s32 @!p0 $0x108  }
0x21: {  	s3 =	sadd.s32 s3, s9;
	s6 =	sadd.s32 @!p0 $0x88, s6;
	s7 =	simm.s32 @p2 $0x1082  }
0x22: {  	[simem:s7], [sflag:s8] =	dma.local @!p0 [hbm:s6], $0xF7A  }
0x23: {  	s9 =	sor.u32 $0xD0000000, s2;
	s6 =	simm.s32 $0x108;
	_ =	swait.ge @!p0 [sflag:s8], $0x0  }
0x24: {  	s3 =	sadd.s32 $0x88, s3;
	s6 =	simm.s32 @!p1 $0x1082;
	[sflag:s4] =	ssyncset.s32 $0xFFFFF086  }
0x25: {  	[simem:s6], [sflag:s4] =	dma.local [hbm:s3], $0xF7A  }
0x26: {  	[smem:$0x3F92] =	sst s1;
	(tag) =	ssettag s2;
	_ =	strace s9  }
0x27: {  	s1 =	sld [smem:$0x3FA2]  }
0x28: {  	s2 =	sld [smem:$0x3FA3]  }
0x29: {  	s4 =	sld [smem:$0x3FA5]  }
0x2a: {  	p0 =	seq.s32 s5, $0x0;
	s5 =	sld [smem:$0x3FA6]  }
0x2b: {  	s6 =	sld [smem:$0x3FA7]  }
0x2c: {  	s7 =	sld [smem:$0x3FA8]  }
0x2d: {  	s3 =	simm.s32 $0x108;
	s8 =	sld [smem:$0x3FA9]  }
0x2e: {  	s3 =	simm.s32 @!p0 $0x1082;
	s9 =	sld [smem:$0x3FAA]  }
0x2f: {  	lr =	sadd.s32 s0, s3;
	s0 =	sld [smem:$0x3FA1]  }
0x30: {  	s3 =	sld [smem:$0x3FA4]  }
0x31: {  	[smem:$0x3FAD] =	sst s10  }
0x32: {  	s10 =	sld [smem:$0x3FAB];
	_ =	sdelay $0x3  }
0x33: {  	p0 =	seq.s32 s10, $0x1;
	s10 =	sld [smem:$0x3FAD];
	_ =	sdelay $0x3  }
0x34: {  	[smem:$0x3FAD] =	sst s10  }
0x35: {  	s10 =	sld [smem:$0x3FAC];
	_ =	sdelay $0x3  }
0x36: {  	p1 =	seq.s32 s10, $0x1;
	s10 =	sld [smem:$0x3FAD];
	_ =	sdelay $0x3  }
0x37: {  	[smem:$0x3FAD] =	sst s10  }
0x38: {  	s10 =	sld [smem:$0x3FAE]  }
0x39: {  	_ = 	snop;
	(pc) =	sbr.ind lr, $3  }
0x3a: {  	_ = 	snop  }
0x3b: {  	_ = 	snop  }
0x3c: {  	p2 =	seq.s32 s10, $0x1;
	s10 =	sld [smem:$0x3FAD]  }
0x3d: {  	_ =	shalt  }
0x3e: {  	_ =	shalt  }
0x3f: {  	_ =	shalt  }
0x40: {  	_ =	shalt  }
0x41: {  	_ =	shalt  }
0x42: {  	_ =	shalt  }
0x43: {  	_ =	shalt  }
0x44: {  	_ =	shalt  }
0x45: {  	_ =	shalt  }
0x46: {  	_ =	shalt  }
0x47: {  	_ =	shalt  }
0x48: {  	_ =	shalt  }
0x49: {  	_ =	shalt  }
0x4a: {  	_ =	shalt  }
0x4b: {  	_ =	shalt  }
0x4c: {  	_ =	shalt  }
0x4d: {  	_ =	shalt  }
0x4e: {  	_ =	shalt  }
0x4f: {  	_ =	shalt  }
0x50: {  	_ =	shalt  }
0x51: {  	_ =	shalt  }
0x52: {  	_ =	shalt  }
0x53: {  	_ =	shalt  }
0x54: {  	_ =	shalt  }
0x55: {  	_ =	shalt  }
0x56: {  	_ =	shalt  }
0x57: {  	_ =	shalt  }
0x58: {  	_ =	shalt  }
0x59: {  	_ =	shalt  }
0x5a: {  	_ =	shalt  }
0x5b: {  	_ =	shalt  }
0x5c: {  	_ =	shalt  }
0x5d: {  	_ =	shalt  }
0x5e: {  	_ =	shalt  }
0x5f: {  	_ =	shalt  }
0x60: {  	_ =	shalt  }
0x61: {  	_ =	shalt  }
0x62: {  	_ =	shalt  }
0x63: {  	_ =	shalt  }
0x64: {  	_ =	shalt  }
0x65: {  	_ =	shalt  }
0x66: {  	_ =	shalt  }
0x67: {  	_ =	shalt  }
0x68: {  	_ =	shalt  }
0x69: {  	_ =	shalt  }
0x6a: {  	_ =	shalt  }
0x6b: {  	_ =	shalt  }
0x6c: {  	_ =	shalt  }
0x6d: {  	_ =	shalt  }
0x6e: {  	_ =	shalt  }
0x6f: {  	_ =	shalt  }
0x70: {  	_ =	shalt  }
0x71: {  	_ =	shalt  }
0x72: {  	_ =	shalt  }
0x73: {  	_ =	shalt  }
0x74: {  	_ =	shalt  }
0x75: {  	_ =	shalt  }
0x76: {  	_ =	shalt  }
0x77: {  	_ =	shalt  }
0x78: {  	_ =	shalt  }
0x79: {  	_ =	shalt  }
0x7a: {  	_ =	shalt  }
0x7b: {  	_ =	shalt  }
0x7c: {  	_ =	shalt  }
0x7d: {  	_ =	shalt  }
0x7e: {  	_ =	shalt  }
0x7f: {  	_ =	shalt  }
0x80: {  	_ =	shalt  }
0x81: {  	_ =	shalt  }
0x82: {  	_ =	shalt  }
0x83: {  	_ =	shalt  }
0x84: {  	_ =	shalt  }
0x85: {  	_ =	shalt  }
0x86: {  	_ =	shalt  }
0x87: {  	_ =	shalt  }
.Lfunc_end0:
.L_simem_size_0:
called_computation.3_lowered:
.L_overlay_start_0:
0x88: {  	s2 =	sld [smem:$0x3FD9]  }
0x89: {  	s3 =	sld [smem:$0x3FFE];
	_ =	sdelay $0x1  }
0x8a: {  	s1 =	srdreg.scid  }
0x8b: {  	s0 =	sand.u32 $0x1, s1  }
0x8c: {  	s14 =	sshll.u32 s0, $0xA;
	s2 =	sadd.s32 s3, s2  }
0x8d: {  	s2 =	sadd.s32 s2, s14  }
0x8e: {  	[smem:$0x3FB9] =	sst s2  }
0x8f: {  	_ = 	snop  }
0x90: {  	s2 =	sld [smem:$0x3FD0];
	_ =	sdelay $0x2  }
0x91: {  	s15 =	simm.s32 $0xB;
	s4 =	simm.s32 $0x10  }
0x92: {  	[smem:s4], [sflag:s15] =	dma.local [hbm:s2], $0x1  }
0x93: {  	_ =	swait.eq [sflag:s15], $0x1  }
0x94: {  	[sflag:s15] =	ssyncset.done $0x0  }
0x95: {  	s16 =	sld [smem:$0x10];
	[sflag:s15] =	ssyncadd.s32 $0xFFFFFFFF  }
0x96: {  	s17 =	sld [smem:$0x12];
	(tm) =	ssettm $0x1  }
0x97: {  	s18 =	sld [smem:$0x3FFB];
	_ =	sdelay $0x3  }
0x98: {  	_ =	strace s18  }
0x99: {  	s4 =	sld [smem:$0x3FFC];
	_ =	sdelay $0x3  }
0x9a: {  	_ =	strace s4  }
0x9b: {  	s4 =	sld [smem:$0x3FFD];
	_ =	sdelay $0x3  }
0x9c: {  	_ =	strace s4  }
0x9d: {  	_ =	strace $0x8FFFFFFF  }
0x9e: {  	s19 =	sld [smem:$0x3FDB];
	_ =	sdelay $0x1  }
0x9f: {  	s5 =	simm.s32 $_scs_section_size  }
0xa0: {  	s6 =	simm.s32 $_size__tile_overlayer_lowered;
	s7 =	simm.s32 $_tile_overlayer_lowered  }
0xa1: {  	s22 =	simm.s32 $0x1BFF;
	s21 =	sshll.u32 s7, $0x1;
	s4 =	sadd.s32 s5, s19  }
0xa2: {  	s8 =	simm.s32 $0x0;
	s20 =	sshll.u32 s6, $0x1;
	s6 =	sadd.s32 s21, s4  }
0xa3: {  	[timem:s8], [sflag:s22] =	dma.local [hbm:s6], s20  }
0xa4: {  	_ =	swait.ge [sflag:s22], s20  }
0xa5: {  	s5 =	ssub.s32 $0x0, s20;
	[sflag:s22] =	ssyncset.done $0x0  }
0xa6: {  	[sflag:s22] =	ssyncadd.s32 s5;
	_ =	sdelay $0x1  }
0xa7: {  	s23 =	simm.s32 $0x1B8B  }
0xa8: {  	_ =	swait.ge [sflag:s23], $0x1  }
0xa9: {  	[sflag:s23] =	ssyncset.done $0x0  }
0xaa: {  	s25 =	simm.s32 $0x1B8E;
	s24 =	sld [smem:$0x3FFE];
	[sflag:s23] =	ssyncadd.s32 $0xFFFFFFFF  }
0xab: {  	s26 =	simm.s32 $execute0_lowered;
	[smem:$0x3FD2] =	sst s25  }
0xac: {  	s6 =	sshll.u32 s26, $0x1;
	_ =	strace $0x80000046;
	[dreg:$0x1] =	wrdreg $0xFFFFFFFF  }
0xad: {  	s28 =	simm.s32 $_size_execute0_lowered;
	s4 =	sadd.s32 s4, s6;
	[dreg:$0x0] =	wrdreg $0x0  }
0xae: {  	s6 =	sshll.u32 s28, $0x1;
	[dreg:$0x2] =	wrdreg s4  }
0xaf: {  	[dreg:$0x3] =	wrdreg s6  }
0xb0: {  	[dreg:$0x4] =	wrdreg $0xC0  }
0xb1: {  	_ =	task [dreg:s8], $0x5FFFF  }
0xb2: {  	[dreg:$0x1] =	wrdreg $0xFFFFFFFF  }
0xb3: {  	[dreg:$0x0] =	wrdreg $0x60  }
0xb4: {  	[dreg:$0x2] =	wrdreg s16  }
0xb5: {  	[dreg:$0x3] =	wrdreg s24  }
0xb6: {  	[dreg:$0x4] =	wrdreg s17  }
0xb7: {  	[dreg:$0x5] =	wrdreg $0xA  }
0xb8: {  	_ =	task.clear_ibuf [dreg:s8], $0x6FFFF;
	_ =	strace $0x90000046  }
0xb9: {  	s29 =	simm.s32 $0xA;
	_ =	strace $0x80000048  }
0xba: {  	_ =	swait.ge [sflag:s29], $0x1  }
0xbb: {  	[sflag:s29] =	ssyncadd.s32 $0xFFFFFFFF  }
0xbc: {  	_ =	strace $0x90000048  }
0xbd: {  	_ =	sfence  }
0xbe: {  	s30 =	sld [smem:$0x0];
	_ =	sdelay $0x2  }
0xbf: {  	s31 =	sshll.u32 s1, $0xD;
	s1 =	sshrl.u32 s1, $0x2  }
0xc0: {  	s3 =	sand.u32 $0x4000, s31;
	s1 =	sadd.s32 s1, s30  }
0xc1: {  	s0 =	sor.u32 s3, s0;
	s1 =	sshll.u32 s1, $0x11  }
0xc2: {  	s0 =	sor.u32 s1, s0  }
0xc3: {  	s0 =	sadd.s32 $0x8F2B, s0  }
0xc4: {  	[sflag:s0] =	ssyncadd.remote.s32 $0x1  }
0xc5: {  	_ =	sfence.sel $0xFFFF  }
0xc6: {  	[dreg:$0x0] =	wrdreg $0xFFFFFFFF;
	(pc) =	sbr.abs _section_cstart, $3  }
0xc7: {  	[dreg:$0x1] =	wrdreg $0xFFFFFFFF  }
0xc8: {  	_ =	task.clear_ibuf [dreg:s8], $0x2FFFF;
	_ =	strace $0x9FFFFFFF  }
0xc9: {  	(tm) =	ssettm $0x7FFFFFFF  }
tec
execute0_lowered:
.L_overlay_start_1:
0x0: {  	(tag) =	ssettag $0x1  }
0x1: {  	s1 =	rddreg [dreg:$0x0]  }
0x2: {  	s9 =	rddreg [dreg:$0x1]  }
0x3: {  	s2 =	rddreg [dreg:$0x2]  }
0x4: {  	s0 =	rddreg [dreg:$0x3];
	s4 =	simm.s32 $0x0  }
0x5: {  	s5 =	srdreg.scid;
	s3 =	stileid.u32;
	s13 =	simm.s32 $0x100  }
0x6: {  	s14 =	simm.s32 $0xCA00;
	s15 =	simm.s32 $0xC8;
	s16 =	simm.s32 $0x200  }
0x7: {  	s17 =	simm.s32 $0x6600;
	s18 =	simm.s32 $0x1;
	s19 =	simm.s32 $0x2  }
0x8: {  	v0 =	vimm.s32 $0xFEDCBA98;
	s20 =	simm.s32 $0xD080;
	s21 =	simm.s32 $0xD700;
	s22 =	simm.s32 $0x0  }
0x9: {  	v1 =	vimm.s32 $0x76543210;
	[smem:$0x7FF] =	sst s4;
	s8 =	sand.u32 $0x1, s5;
	s7 =	sshll.u32 s3, $0x1;
	v0 =	vunpack.c.l.s4.s8 v0  }
0xa: {  	s5 =	sadd.s32 $0x15600, s9;
	s6 =	sadd.s32 $0xB800, s9;
	v1 =	vunpack.c.l.s4.s8 v1;
	_ =	strace $0x80000047  }
0xb: {  	s10 =	sor.u32 s8, s7;
	s7 =	sadd.s32 $0x1A00, s9;
	s12 =	ssub.s32 $0x2, s8;
	v0 =	vunpack.c.0.s8.s32 v0  }
0xc: {  	s8 =	sadd.s32 $0x3CA00, s9;
	s11 =	sshll.u32 s10, $0x4;
	s31 =	sshrl.u32 s12, $0x1;
	v1 =	vunpack.c.0.s8.s32 v1  }
0xd: {  	s11 =	sadd.s32 s11, s9;
	s12 =	ssub.s32 s12, s31;
	s9 =	smul.u32 $0x2710, s10;
	v0 =	vand.u32 $0xF, v0  }
0xe: {  	vm0 =	vmmov $0xff;
	s10 =	sadd.s32 $0x3C800, s11;
	s11 =	smax.u32 s12, $0x1;
	s12 =	simm.s32 $0x3;
	v0 =	vcombine.low v0, v1  }
.LBB2_1:
0xf: {  	v1 =	vimm.f32 $-1.000000020e+30;
	s23 =	simm.s32 $0x0  }
.LBB2_2:
0x10: {  	s24 =	smul.u32 $0xC8, s23;
	_ =	sdelay $0x1  }
0x11: {  	s24 =	sadd.s32 s9, s24  }
0x12: {  	s26 =	sshrl.u32 s24, $0x3  }
0x13: {  	s25 =	simm.s32 $0x0;
	s28 =	sadd.s32 s6, s26  }
0x14: {  	[tilespmem:s25], [sflag:$0x3] =	stream.linear.gather [hbm4b:s28+s25], $0xC8, $0x38;
	[tilespmem:$0xD780] =	vst v63  }
0x15: {  	_ =	swait.ge [sflag:s12], $0xC8  }
0x16: {  	[sflag:s12] =	ssyncset.done $0x0  }
0x17: {  	s26 =	sadd.s32 s7, s26;
	[sflag:s12] =	ssyncadd.s32 $0xFFFFFF38  }
0x18: {  	[tilespmem:s13], [sflag:$0x3] =	stream.linear.gather [hbm4b:s26+s25], $0xC8, $0x38;
	[tilespmem:$0xD780] =	vst v63  }
0x19: {  	_ =	swait.ge [sflag:s12], $0xC8  }
0x1a: {  	[sflag:s12] =	ssyncset.done $0x0  }
0x1b: {  	s31 =	sadd.s32 s2, s24;
	[sflag:s12] =	ssyncadd.s32 $0xFFFFFF38  }
0x1c: {  	[tilespmem:s14], [sflag:$0x3] =	stream.linear.gather [hbm4b:s31+s25], $0x640, $0x38;
	[tilespmem:$0xD780] =	vst v63  }
0x1d: {  	_ =	swait.ge [sflag:s12], $0x640  }
0x1e: {  	[sflag:s12] =	ssyncset.done $0x0  }
0x1f: {  	[sflag:s12] =	ssyncadd.s32 $0xFFFFF9C0  }
0x20: {  	[tilespmem:s16], [sflag:$0x1] =	stream.indirect.gather [hbm4b:s1+s15], $0x80, s25, s15, $0xb8;
	[tilespmem:$0xD780] =	vst v63  }
0x21: {  	_ = 	snop  }
0x22: {  	[tilespmem:s17], [sflag:$0x2] =	stream.indirect.gather [hbm4b:s5+s15], $0x80, s13, s15, $0xb8;
	[tilespmem:$0xD780] =	vst v63  }
0x23: {  	_ =	swait.ge [sflag:s18], $0x6400  }
0x24: {  	[sflag:s18] =	ssyncset.done $0x0  }
0x25: {  	[sflag:s18] =	ssyncadd.s32 $0xFFFF9C00  }
0x26: {  	_ =	swait.ge [sflag:s19], $0x6400  }
0x27: {  	[sflag:s19] =	ssyncset.done $0x0  }
0x28: {  	s28 =	simm.s32 $0x280;
	[sflag:s19] =	ssyncadd.s32 $0xFFFF9C00  }
0x29: {  	s26 =	simm.s32 $0x6680;
	v2 =	vld [tilespmem:s28+$0xFFFFFFF0]  }
0x2a: {  	v3 =	vld [tilespmem:s26+$0xFFFFFFF0]  }
0x2b: {  	v4 =	vld [tilespmem:s28+$0xFFFFFFE0]  }
0x2c: {  	v5 =	vld [tilespmem:s26+$0xFFFFFFE0]  }
0x2d: {  	v6 =	vld [tilespmem:s28+$0xFFFFFFD0]  }
0x2e: {  	v7 =	vld [tilespmem:s26+$0xFFFFFFD0]  }
0x2f: {  	v8 =	vld [tilespmem:s28+$0xFFFFFFC0]  }
0x30: {  	v9 =	vld [tilespmem:s26+$0xFFFFFFC0]  }
0x31: {  	v10 =	vld [tilespmem:s28+$0xFFFFFFB0]  }
0x32: {  	v11 =	vld [tilespmem:s26+$0xFFFFFFB0]  }
0x33: {  	v12 =	vld [tilespmem:s28+$0xFFFFFFA0]  }
0x34: {  	v13 =	vld [tilespmem:s26+$0xFFFFFFA0]  }
0x35: {  	v14 =	vld [tilespmem:s26+$0xFFFFFF80]  }
0x36: {  	v15 =	vld [tilespmem:s28+$0xFFFFFF80]  }
0x37: {  	v16 =	vld [tilespmem:s28+$0xFFFFFF90]  }
0x38: {  	v18 =	vld [tilespmem:s26+$0xFFFFFF90]  }
0x39: {  	v17 =	vld [tilespmem:s28+$0x0]  }
0x3a: {  	v19 =	vld [tilespmem:s26+$0x0]  }
0x3b: {  	v20 =	vld [tilespmem:s28+$0x10]  }
0x3c: {  	s29 =	simm.s32 $0x40;
	v21 =	vld [tilespmem:s26+$0x10]  }
.LBB2_3:
0x3d: {  	p0 =	sne.s32 s29, $0x18C0;
	v22 =	vld [tilespmem:s28+$0x20]  }
0x3e: {  	v23 =	vld [tilespmem:s26+$0x20]  }
0x3f: {  	v24 =	vld [tilespmem:s28+$0x30]  }
0x40: {  	v14 =	vmul.f32 v14, v15;
	v15 =	vmul.f32 v18, v16;
	v16 =	vld [tilespmem:s26+$0x30]  }
0x41: {  	v17 =	vmul.f32 v19, v17;
	v18 =	vmul.f32 v21, v20;
	v19 =	vld [tilespmem:s28+$0x40]  }
0x42: {  	v12 =	vmul.f32 v13, v12;
	v13 =	vld [tilespmem:s26+$0x40]  }
0x43: {  	v14 =	vadd.f32 v15, v14;
	v15 =	vadd.f32 v18, v17;
	v17 =	vmul.f32 v23, v22;
	v18 =	vld [tilespmem:s28+$0x50]  }
0x44: {  	v10 =	vmul.f32 v11, v10;
	v11 =	vld [tilespmem:s26+$0x50]  }
0x45: {  	v12 =	vadd.f32 v12, v14;
	v14 =	vadd.f32 v17, v15;
	v15 =	vmul.f32 v16, v24;
	v16 =	vld [tilespmem:s28+$0x60]  }
0x46: {  	v8 =	vmul.f32 v9, v8;
	v9 =	vld [tilespmem:s26+$0x60]  }
0x47: {  	v10 =	vadd.f32 v10, v12;
	v12 =	vadd.f32 v15, v14;
	v13 =	vmul.f32 v13, v19;
	v14 =	vld [tilespmem:s28+$0x70]  }
0x48: {  	v6 =	vmul.f32 v7, v6;
	v7 =	vld [tilespmem:s26+$0x70]  }
0x49: {  	v8 =	vadd.f32 v8, v10;
	v10 =	vadd.f32 v13, v12;
	v11 =	vmul.f32 v11, v18  }
0x4a: {  	v4 =	vmul.f32 v5, v4  }
0x4b: {  	v5 =	vadd.f32 v6, v8;
	v6 =	vadd.f32 v11, v10;
	v8 =	vmul.f32 v9, v16  }
0x4c: {  	v2 =	vmul.f32 v3, v2  }
0x4d: {  	v3 =	vadd.f32 v4, v5;
	v4 =	vadd.f32 v8, v6;
	v5 =	vmul.f32 v7, v14;
	_ =	sdelay $0x1  }
0x4e: {  	v2 =	vadd.f32 v2, v3;
	v3 =	vadd.f32 v5, v4;
	_ =	sdelay $0x1  }
0x4f: {  	v4 =	vperm.xlane v2, v0;
	v5 =	vperm.xlane v3, v0  }
0x50: {  	s30 =	sshra.s32 s25, $0x2;
	s25 =	smov.u32 s29  }
0x51: {  	v2 =	vadd.f32 v2, v4;
	v3 =	vadd.f32 v3, v5;
	v4 =	vld [tilespmem:s30+$0xCA00];
	_ =	sdelay $0x1  }
0x52: {  	v2 =	vsel vm0, v2, v3  }
0x53: {  	v2 =	vmul.f32 $2.500000000e-01, v2;
	_ =	sdelay $0x1  }
0x54: {  	v2 =	vadd.f32 v2, v4;
	_ =	sdelay $0x1  }
0x55: {  	s28 =	sadd.s32 $0x100, s28;
	[tilespmem:s30+$0xD080] =	vst v2;
	v1 =	vmax.f32 v1, v2  }
0x56: {  	s26 =	sadd.s32 $0x100, s26;
	v2 =	vld [tilespmem:s28+$0xFFFFFFF0]  }
0x57: {  	v3 =	vld [tilespmem:s26+$0xFFFFFFF0]  }
0x58: {  	v4 =	vld [tilespmem:s28+$0xFFFFFFE0]  }
0x59: {  	v5 =	vld [tilespmem:s26+$0xFFFFFFE0]  }
0x5a: {  	v6 =	vld [tilespmem:s28+$0xFFFFFFD0]  }
0x5b: {  	v7 =	vld [tilespmem:s26+$0xFFFFFFD0]  }
0x5c: {  	v8 =	vld [tilespmem:s28+$0xFFFFFFC0]  }
0x5d: {  	v9 =	vld [tilespmem:s26+$0xFFFFFFC0]  }
0x5e: {  	v10 =	vld [tilespmem:s28+$0xFFFFFFB0]  }
0x5f: {  	v11 =	vld [tilespmem:s26+$0xFFFFFFB0]  }
0x60: {  	v12 =	vld [tilespmem:s28+$0xFFFFFFA0]  }
0x61: {  	v13 =	vld [tilespmem:s26+$0xFFFFFFA0]  }
0x62: {  	v14 =	vld [tilespmem:s26+$0xFFFFFF80]  }
0x63: {  	v15 =	vld [tilespmem:s28+$0xFFFFFF80]  }
0x64: {  	v16 =	vld [tilespmem:s28+$0xFFFFFF90]  }
.Ltmp0:
0x65: {  	v18 =	vld [tilespmem:s26+$0xFFFFFF90];
	(pc) =	sbr.rel @p0 .LBB2_3-.Ltmp0, $4  }
0x66: {  	v17 =	vld [tilespmem:s28+$0x0]  }
0x67: {  	v19 =	vld [tilespmem:s26+$0x0]  }
0x68: {  	v20 =	vld [tilespmem:s28+$0x10]  }
0x69: {  	s29 =	sadd.s32 $0x40, s29;
	v21 =	vld [tilespmem:s26+$0x10]  }
0x6a: {  	v22 =	vld [tilespmem:s28+$0x20]  }
0x6b: {  	v23 =	vld [tilespmem:s26+$0x20]  }
0x6c: {  	v24 =	vld [tilespmem:s28+$0x30]  }
0x6d: {  	v14 =	vmul.f32 v14, v15;
	v40 =	vmul.f32 v18, v16;
	v41 =	vld [tilespmem:s26+$0x30]  }
0x6e: {  	v43 =	vld [tilespmem:s28+$0x40];
	v17 =	vmul.f32 v19, v17;
	v42 =	vmul.f32 v21, v20  }
0x6f: {  	v12 =	vmul.f32 v13, v12;
	v44 =	vld [tilespmem:s26+$0x40]  }
0x70: {  	v47 =	vld [tilespmem:s28+$0x50];
	v14 =	vadd.f32 v40, v14;
	v46 =	vmul.f32 v23, v22;
	v45 =	vadd.f32 v42, v17  }
0x71: {  	v10 =	vmul.f32 v11, v10;
	v48 =	vld [tilespmem:s26+$0x50]  }
0x72: {  	v51 =	vld [tilespmem:s28+$0x60];
	v12 =	vadd.f32 v12, v14;
	v50 =	vmul.f32 v41, v24;
	v49 =	vadd.f32 v46, v45  }
0x73: {  	v8 =	vmul.f32 v9, v8;
	v52 =	vld [tilespmem:s26+$0x60]  }
0x74: {  	v54 =	vld [tilespmem:s28+$0x70];
	v13 =	vmul.f32 v44, v43;
	v10 =	vadd.f32 v10, v12;
	v53 =	vadd.f32 v50, v49  }
0x75: {  	v6 =	vmul.f32 v7, v6;
	v55 =	vld [tilespmem:s26+$0x70]  }
0x76: {  	v11 =	vmul.f32 v48, v47;
	v8 =	vadd.f32 v8, v10;
	v56 =	vadd.f32 v13, v53  }
0x77: {  	v4 =	vmul.f32 v5, v4  }
0x78: {  	v59 =	vmul.f32 v52, v51;
	v57 =	vadd.f32 v6, v8;
	v58 =	vadd.f32 v11, v56  }
0x79: {  	v2 =	vmul.f32 v3, v2  }
0x7a: {  	v61 =	vmul.f32 v55, v54;
	v3 =	vadd.f32 v4, v57;
	v60 =	vadd.f32 v59, v58;
	_ =	sdelay $0x1  }
0x7b: {  	v2 =	vadd.f32 v2, v3;
	v3 =	vadd.f32 v61, v60;
	_ =	sdelay $0x1  }
0x7c: {  	v62 =	vperm.xlane v2, v0;
	v5 =	vperm.xlane v3, v0  }
0x7d: {  	s25 =	sshra.s32 s25, $0x2  }
0x7e: {  	v63 =	vld [tilespmem:s25+$0xCA00];
	v2 =	vadd.f32 v2, v62;
	v3 =	vadd.f32 v3, v5;
	_ =	sdelay $0x1  }
0x7f: {  	v2 =	vsel vm0, v2, v3  }
0x80: {  	v2 =	vmul.f32 $2.500000000e-01, v2;
	_ =	sdelay $0x1  }
0x81: {  	s23 =	sadd.s32 $0x1, s23;
	v2 =	vadd.f32 v2, v63  }
0x82: {  	p0 =	sne.s32 s23, $0x32  }
.Ltmp1:
0x83: {  	s24 =	sadd.s32 s8, s24;
	[tilespmem:s25+$0xD080] =	vst v2;
	(pc) =	sbr.rel @p0 .LBB2_2-.Ltmp1, $4  }
0x84: {  	[hbm4b:s24+s4] =	stream.linear.scatter [tilespmem:s20], [sflag:$0x3], $0x640, $0x38;
	[tilespmem:$0xD780] =	vst v63  }
0x85: {  	_ =	swait.ge [sflag:s12], $0x640  }
0x86: {  	[sflag:s12] =	ssyncset.done $0x0  }
0x87: {  	v1 =	vmax.f32 v1, v2;
	[sflag:s12] =	ssyncadd.s32 $0xFFFFF9C0  }
0x88: {  	s22 =	sadd.s32 $0x1, s22  }
0x89: {  	p0 =	sne.s32 s22, s11  }
.Ltmp2:
0x8a: {  	[tilespmem:$0xD700] =	vst v1;
	(pc) =	sbr.rel @p0 .LBB2_1-.Ltmp2, $4  }
0x8b: {  	[hbm4b:s10+s4] =	stream.linear.scatter [tilespmem:s21], [sflag:$0x3], $0x80, $0x38;
	[tilespmem:$0xD780] =	vst v63  }
0x8c: {  	_ =	swait.ge [sflag:s12], $0x80  }
0x8d: {  	[sflag:s12] =	ssyncset.done $0x0  }
0x8e: {  	[sflag:s12] =	ssyncadd.s32 $0xFFFFFF80  }
0x8f: {  	_ =	sfence.sel $0x180000  }
0x90: {  	[bflag:$0x0] =	sbarrier.arrive $0xFFFF  }
0x91: {  	p0 =	sne.s32 s3, $0x0;
	_ =	strace $0x90000047  }
0x92: {  	s0 =	sadd.s32 @!p0 $0x100000, s0;
	[bflag:$0x2] =	sbarrier.arrive $0xFFFF  }
0x93: {  	[sflag:s0] =	ssyncadd.tile.s32 @!p0 $0x1;
	_ =	shalt  }
.Lfunc_end2:
_tile_overlayer_lowered:
.L_overlay_start_2:
0x94: {  	(tag) =	ssettag $0x2  }
0x95: {  	s0 =	rddreg [dreg:$0x0];
	s2 =	stileid.u32  }
0x96: {  	s1 =	rddreg [dreg:$0x1];
	p0 =	sne.s32 s2, $0x0  }
0x97: {  	s3 =	rddreg [dreg:$0x2];
	[bflag:$0x3] =	sbarrier.arrive $0xFFFF;
	s2 =	simm.s32 @!p0 $0x1C03  }
0x98: {  	[timem:s3], [sflag:s2] =	dma.local @!p0 [hbm:s0], s1  }
0x99: {  	s0 =	simm.s32 @!p0 $0x3  }
0x9a: {  	_ =	swait.ge @!p0 [sflag:s0], s1  }
0x9b: {  	s1 =	ssub.s32 @!p0 $0x0, s1;
	[sflag:s0] =	ssyncset.done @!p0 $0x0  }
0x9c: {  	[sflag:s0] =	ssyncadd.s32 @!p0 s1  }
0x9d: {  	[bflag:$0x3] =	sbarrier.arrive $0xFFFF  }
0x9e: {  	_ =	shalt  }

// kernel: scatter_offload_async_start
scs
__scs_entry_jumppad:
0x0: {  	(pc) =	sbr.rel $0x88, $3  }
0x1: {  	(tag) =	ssettag $0x0;
	lr =	simm.s32 $0x1  }
0x2: {  	[smem:$0x3F92] =	sst lr;
	_ =	strace $0xD0000000  }
0x3: {  	_ = 	snop  }
0x4: {  	_ = 	snop  }
0x5: {  	_ = 	snop  }
0x6: {  	_ = 	snop  }
0x7: {  	_ = 	snop  }
__scs_overlays_trampoline_lowered:
0x8: {  	[smem:$0x3FA1] =	sst s0  }
0x9: {  	[smem:$0x3FA2] =	sst s1  }
0xa: {  	[smem:$0x3FA3] =	sst s2  }
0xb: {  	[smem:$0x3FA4] =	sst s3  }
0xc: {  	[smem:$0x3FA5] =	sst s4  }
0xd: {  	[smem:$0x3FA6] =	sst s5  }
0xe: {  	[smem:$0x3FA7] =	sst s6  }
0xf: {  	[smem:$0x3FA8] =	sst s7  }
0x10: {  	[smem:$0x3FA9] =	sst s8  }
0x11: {  	[smem:$0x3FAA] =	sst s9;
	s0 =	simm.s32 @!p0 $0x0  }
0x12: {  	s1 =	sld [smem:$0x3F90];
	s0 =	simm.s32 @p0 $0x1  }
0x13: {  	[smem:$0x3FAB] =	sst s0;
	s0 =	simm.s32 @!p1 $0x0  }
0x14: {  	s2 =	sld [smem:$0x3F8F];
	s0 =	simm.s32 @p1 $0x1  }
0x15: {  	[smem:$0x3FAC] =	sst s0;
	s0 =	simm.s32 @!p2 $0x0  }
0x16: {  	s3 =	sld [smem:$0x3FDB];
	s0 =	simm.s32 @p2 $0x1  }
0x17: {  	s4 =	simm.s32 $0x1BF5;
	[smem:$0x3FAE] =	sst s0  }
0x18: {  	s0 =	sld [smem:$0x3F91];
	_ =	swait.ge [sflag:s4], $0x0  }
0x19: {  	s7 =	sld [smem:$0x3F92]  }
0x1a: {  	s8 =	sadd.s32 $0xFFFFE003, lr  }
0x1b: {  	s9 =	sadd.s32 $0xFFFFFEF7, lr;
	s5 =	simm.s32 $0xFFFFFFFF;
	p2 =	slt.u32 s8, $0xFFFFF086  }
0x1c: {  	p1 =	slt.u32 s9, $0xF7A;
	s5 =	simm.s32 @!p2 $0x0  }
0x1d: {  	s5 =	simm.s32 @p1 $0x1;
	p0 =	seq.s32 s7, s2  }
0x1e: {  	s7 =	smul.u32 @!p0 $0xF7A, s2;
	p2 =	seq.s32 @!p0 s5, $0x0  }
0x1f: {  	s9 =	smul.u32 $0xF7A, s1;
	s8 =	simm.s32 @!p0 $0x1BF5;
	p2 =	por !p2, p0  }
0x20: {  	[sflag:s8] =	ssyncset.s32 @!p0 $0xFFFFF086;
	s6 =	sadd.s32 @!p0 s3, s7;
	s7 =	simm.s32 @!p0 $0x108  }
0x21: {  	s3 =	sadd.s32 s3, s9;
	s6 =	sadd.s32 @!p0 $0x88, s6;
	s7 =	simm.s32 @p2 $0x1082  }
0x22: {  	[simem:s7], [sflag:s8] =	dma.local @!p0 [hbm:s6], $0xF7A  }
0x23: {  	s9 =	sor.u32 $0xD0000000, s2;
	s6 =	simm.s32 $0x108;
	_ =	swait.ge @!p0 [sflag:s8], $0x0  }
0x24: {  	s3 =	sadd.s32 $0x88, s3;
	s6 =	simm.s32 @!p1 $0x1082;
	[sflag:s4] =	ssyncset.s32 $0xFFFFF086  }
0x25: {  	[simem:s6], [sflag:s4] =	dma.local [hbm:s3], $0xF7A  }
0x26: {  	[smem:$0x3F92] =	sst s1;
	(tag) =	ssettag s2;
	_ =	strace s9  }
0x27: {  	s1 =	sld [smem:$0x3FA2]  }
0x28: {  	s2 =	sld [smem:$0x3FA3]  }
0x29: {  	s4 =	sld [smem:$0x3FA5]  }
0x2a: {  	p0 =	seq.s32 s5, $0x0;
	s5 =	sld [smem:$0x3FA6]  }
0x2b: {  	s6 =	sld [smem:$0x3FA7]  }
0x2c: {  	s7 =	sld [smem:$0x3FA8]  }
0x2d: {  	s3 =	simm.s32 $0x108;
	s8 =	sld [smem:$0x3FA9]  }
0x2e: {  	s3 =	simm.s32 @!p0 $0x1082;
	s9 =	sld [smem:$0x3FAA]  }
0x2f: {  	lr =	sadd.s32 s0, s3;
	s0 =	sld [smem:$0x3FA1]  }
0x30: {  	s3 =	sld [smem:$0x3FA4]  }
0x31: {  	[smem:$0x3FAD] =	sst s10  }
0x32: {  	s10 =	sld [smem:$0x3FAB];
	_ =	sdelay $0x3  }
0x33: {  	p0 =	seq.s32 s10, $0x1;
	s10 =	sld [smem:$0x3FAD];
	_ =	sdelay $0x3  }
0x34: {  	[smem:$0x3FAD] =	sst s10  }
0x35: {  	s10 =	sld [smem:$0x3FAC];
	_ =	sdelay $0x3  }
0x36: {  	p1 =	seq.s32 s10, $0x1;
	s10 =	sld [smem:$0x3FAD];
	_ =	sdelay $0x3  }
0x37: {  	[smem:$0x3FAD] =	sst s10  }
0x38: {  	s10 =	sld [smem:$0x3FAE]  }
0x39: {  	_ = 	snop;
	(pc) =	sbr.ind lr, $3  }
0x3a: {  	_ = 	snop  }
0x3b: {  	_ = 	snop  }
0x3c: {  	p2 =	seq.s32 s10, $0x1;
	s10 =	sld [smem:$0x3FAD]  }
0x3d: {  	_ =	shalt  }
0x3e: {  	_ =	shalt  }
0x3f: {  	_ =	shalt  }
0x40: {  	_ =	shalt  }
0x41: {  	_ =	shalt  }
0x42: {  	_ =	shalt  }
0x43: {  	_ =	shalt  }
0x44: {  	_ =	shalt  }
0x45: {  	_ =	shalt  }
0x46: {  	_ =	shalt  }
0x47: {  	_ =	shalt  }
0x48: {  	_ =	shalt  }
0x49: {  	_ =	shalt  }
0x4a: {  	_ =	shalt  }
0x4b: {  	_ =	shalt  }
0x4c: {  	_ =	shalt  }
0x4d: {  	_ =	shalt  }
0x4e: {  	_ =	shalt  }
0x4f: {  	_ =	shalt  }
0x50: {  	_ =	shalt  }
0x51: {  	_ =	shalt  }
0x52: {  	_ =	shalt  }
0x53: {  	_ =	shalt  }
0x54: {  	_ =	shalt  }
0x55: {  	_ =	shalt  }
0x56: {  	_ =	shalt  }
0x57: {  	_ =	shalt  }
0x58: {  	_ =	shalt  }
0x59: {  	_ =	shalt  }
0x5a: {  	_ =	shalt  }
0x5b: {  	_ =	shalt  }
0x5c: {  	_ =	shalt  }
0x5d: {  	_ =	shalt  }
0x5e: {  	_ =	shalt  }
0x5f: {  	_ =	shalt  }
0x60: {  	_ =	shalt  }
0x61: {  	_ =	shalt  }
0x62: {  	_ =	shalt  }
0x63: {  	_ =	shalt  }
0x64: {  	_ =	shalt  }
0x65: {  	_ =	shalt  }
0x66: {  	_ =	shalt  }
0x67: {  	_ =	shalt  }
0x68: {  	_ =	shalt  }
0x69: {  	_ =	shalt  }
0x6a: {  	_ =	shalt  }
0x6b: {  	_ =	shalt  }
0x6c: {  	_ =	shalt  }
0x6d: {  	_ =	shalt  }
0x6e: {  	_ =	shalt  }
0x6f: {  	_ =	shalt  }
0x70: {  	_ =	shalt  }
0x71: {  	_ =	shalt  }
0x72: {  	_ =	shalt  }
0x73: {  	_ =	shalt  }
0x74: {  	_ =	shalt  }
0x75: {  	_ =	shalt  }
0x76: {  	_ =	shalt  }
0x77: {  	_ =	shalt  }
0x78: {  	_ =	shalt  }
0x79: {  	_ =	shalt  }
0x7a: {  	_ =	shalt  }
0x7b: {  	_ =	shalt  }
0x7c: {  	_ =	shalt  }
0x7d: {  	_ =	shalt  }
0x7e: {  	_ =	shalt  }
0x7f: {  	_ =	shalt  }
0x80: {  	_ =	shalt  }
0x81: {  	_ =	shalt  }
0x82: {  	_ =	shalt  }
0x83: {  	_ =	shalt  }
0x84: {  	_ =	shalt  }
0x85: {  	_ =	shalt  }
0x86: {  	_ =	shalt  }
0x87: {  	_ =	shalt  }
.Lfunc_end0:
.L_simem_size_0:
called_computation_lowered:
.L_overlay_start_0:
0x88: {  	s0 =	sld [smem:$0x3FD9]  }
0x89: {  	s1 =	sld [smem:$0x3FFE];
	_ =	sdelay $0x3  }
0x8a: {  	s0 =	sadd.s32 s1, s0  }
0x8b: {  	[smem:$0x3FB9] =	sst s0  }
0x8c: {  	_ = 	snop  }
0x8d: {  	s0 =	sld [smem:$0x3FD0];
	_ =	sdelay $0x2  }
0x8e: {  	s13 =	simm.s32 $0xB;
	s2 =	simm.s32 $0x10  }
0x8f: {  	[smem:s2], [sflag:s13] =	dma.local [hbm:s0], $0x1  }
0x90: {  	_ =	swait.eq [sflag:s13], $0x1  }
0x91: {  	[sflag:s13] =	ssyncset.done $0x0  }
0x92: {  	s14 =	sld [smem:$0x10];
	[sflag:s13] =	ssyncadd.s32 $0xFFFFFFFF  }
0x93: {  	s15 =	sld [smem:$0x12];
	(tm) =	ssettm $0x1  }
0x94: {  	s16 =	sld [smem:$0x3FFB];
	_ =	sdelay $0x3  }
0x95: {  	_ =	strace s16  }
0x96: {  	s2 =	sld [smem:$0x3FFC];
	_ =	sdelay $0x3  }
0x97: {  	_ =	strace s2  }
0x98: {  	s2 =	sld [smem:$0x3FFD];
	_ =	sdelay $0x3  }
0x99: {  	_ =	strace s2  }
0x9a: {  	_ =	strace $0x8FFFFFFF  }
0x9b: {  	s17 =	sld [smem:$0x3FDB];
	_ =	sdelay $0x1  }
0x9c: {  	s3 =	simm.s32 $_scs_section_size  }
0x9d: {  	s4 =	simm.s32 $_size__tile_overlayer_lowered;
	s5 =	simm.s32 $_tile_overlayer_lowered  }
0x9e: {  	s20 =	simm.s32 $0x1BFF;
	s19 =	sshll.u32 s5, $0x1;
	s2 =	sadd.s32 s3, s17  }
0x9f: {  	s6 =	simm.s32 $0x0;
	s18 =	sshll.u32 s4, $0x1;
	s4 =	sadd.s32 s19, s2  }
0xa0: {  	[timem:s6], [sflag:s20] =	dma.local [hbm:s4], s18  }
0xa1: {  	_ =	swait.ge [sflag:s20], s18  }
0xa2: {  	s3 =	ssub.s32 $0x0, s18;
	[sflag:s20] =	ssyncset.done $0x0  }
0xa3: {  	[sflag:s20] =	ssyncadd.s32 s3;
	_ =	sdelay $0x1  }
0xa4: {  	s21 =	simm.s32 $0x1B8B  }
0xa5: {  	_ =	swait.ge [sflag:s21], $0x1  }
0xa6: {  	[sflag:s21] =	ssyncset.done $0x0  }
0xa7: {  	s23 =	simm.s32 $0x1B8E;
	s22 =	sld [smem:$0x3FFE];
	[sflag:s21] =	ssyncadd.s32 $0xFFFFFFFF  }
0xa8: {  	s24 =	simm.s32 $execute0_lowered;
	[smem:$0x3FD2] =	sst s23  }
0xa9: {  	s4 =	sshll.u32 s24, $0x1;
	_ =	strace $0x8000004C;
	[dreg:$0x1] =	wrdreg $0xFFFFFFFF  }
0xaa: {  	s25 =	simm.s32 $_size_execute0_lowered;
	s2 =	sadd.s32 s2, s4;
	[dreg:$0x0] =	wrdreg $0x0  }
0xab: {  	s4 =	sshll.u32 s25, $0x1;
	[dreg:$0x2] =	wrdreg s2  }
0xac: {  	[dreg:$0x3] =	wrdreg s4  }
0xad: {  	[dreg:$0x4] =	wrdreg $0xC0  }
0xae: {  	_ =	task [dreg:s6], $0x5FFFF  }
0xaf: {  	[dreg:$0x1] =	wrdreg $0xFFFFFFFF  }
0xb0: {  	[dreg:$0x0] =	wrdreg $0x60  }
0xb1: {  	[dreg:$0x2] =	wrdreg s14  }
0xb2: {  	[dreg:$0x3] =	wrdreg s15  }
0xb3: {  	[dreg:$0x4] =	wrdreg s22  }
0xb4: {  	[dreg:$0x5] =	wrdreg $0x9  }
0xb5: {  	_ =	task.clear_ibuf [dreg:s6], $0x6FFFF;
	_ =	strace $0x9000004C  }
0xb6: {  	s26 =	simm.s32 $0x9;
	_ =	strace $0x8000004E  }
0xb7: {  	_ =	swait.ge [sflag:s26], $0x1  }
0xb8: {  	[sflag:s26] =	ssyncadd.s32 $0xFFFFFFFF  }
0xb9: {  	_ =	strace $0x9000004E  }
0xba: {  	_ =	sfence  }
0xbb: {  	s28 =	sld [smem:$0x0];
	_ =	sdelay $0x1  }
0xbc: {  	s29 =	srdreg.scid  }
0xbd: {  	s30 =	sshll.u32 s29, $0xD;
	s31 =	sshrl.u32 s29, $0x2  }
0xbe: {  	s1 =	sand.u32 $0x1, s29;
	s2 =	sand.u32 $0x4000, s30;
	s0 =	sadd.s32 s31, s28  }
0xbf: {  	s1 =	sor.u32 s2, s1;
	s0 =	sshll.u32 s0, $0x11  }
0xc0: {  	s0 =	sor.u32 s0, s1  }
0xc1: {  	s0 =	sadd.s32 $0x8F2B, s0  }
0xc2: {  	[sflag:s0] =	ssyncadd.remote.s32 $0x1  }
0xc3: {  	_ =	sfence.sel $0xFFFF  }
0xc4: {  	[dreg:$0x0] =	wrdreg $0xFFFFFFFF;
	(pc) =	sbr.abs _section_cstart, $3  }
0xc5: {  	[dreg:$0x1] =	wrdreg $0xFFFFFFFF  }
0xc6: {  	_ =	task.clear_ibuf [dreg:s6], $0x2FFFF;
	_ =	strace $0x9FFFFFFF  }
0xc7: {  	(tm) =	ssettm $0x7FFFFFFF  }
tec
execute0_lowered:
.L_overlay_start_1:
0x0: {  	(tag) =	ssettag $0x1  }
0x1: {  	s1 =	rddreg [dreg:$0x0]  }
0x2: {  	s2 =	rddreg [dreg:$0x1]  }
0x3: {  	s8 =	rddreg [dreg:$0x2]  }
0x4: {  	s0 =	rddreg [dreg:$0x3];
	_ =	strace $0x8000004D;
	s3 =	simm.s32 $0x1  }
0x5: {  	v1 =	vimm.s32 $0xFFFFFFFF;
	[sflag:s3] =	ssyncpa.u1 $0x0  }
0x6: {  	[tilespmem:$0x10] =	vst v1  }
0x7: {  	v0 =	vimm.f32 $0.0e+00;
	[tilespmem:$0x20] =	vst v1  }
0x8: {  	[tilespmem:$0x30] =	vst v0  }
0x9: {  	[tilespmem:$0x40] =	vst v0  }
0xa: {  	[tilespmem:$0x50] =	vst v0  }
0xb: {  	[tilespmem:$0x60] =	vst v1  }
0xc: {  	s4 =	simm.s32 $0x2;
	s5 =	simm.s32 $0x7;
	s7 =	simm.s32 $0x8;
	[tilespmem:$0x70] =	vst v1  }
0xd: {  	s10 =	simm.s32 $0x9;
	s14 =	simm.s32 $0x0;
	s15 =	simm.s32 $0xFF;
	[tilespmem:$0x80] =	vst v1  }
0xe: {  	p0 =	por $0x0, $0x0;
	s16 =	simm.s32 $0xFFFFC280;
	s17 =	simm.s32 $0xFFFFFFFE;
	v1 =	vimm.s32 $0x0;
	[tilespmem:$0xB0] =	vst v0  }
0xf: {  	s18 =	simm.s32 $0xF;
	s19 =	simm.s32 $0x30;
	s22 =	simm.s32 $0x0;
	[tilespmem:$0x90] =	vst v1  }
.Ltmp0:
0x10: {  	[tilespmem:$0xA0] =	vst v1;
	[sflag:s4] =	ssyncpa.u1 $0x0;
	s4 =	stileid.u32;
	(pc) =	sbr.rel .LBB2_1-.Ltmp0, $4  }
0x11: {  	s20 =	simm.s32 $0x0;
	s6 =	smul.u32 $0x27100, s4;
	[sflag:s5] =	ssyncpa.u1 $0x0  }
0x12: {  	s8 =	sadd.s32 $0x15600, s8;
	s12 =	sshllo.u32 s4, $0x1;
	[sflag:s7] =	ssyncpa.u1 $0x0  }
0x13: {  	vm0 =	vmmov $0xffff;
	v2 =	vlaneseq.u32;
	s9 =	sadd.s32 $0x27100, s6;
	[sflag:s10] =	ssyncpa.u1 $0x0;
	s10 =	sshll.u32 s4, $0x1  }
0x14: {  	vm1 =	vmxor vm1, vm1;
	vm2 =	vmmov $0x1;
	vm3 =	vcmask $0x3F3C;
	s21 =	smov.u32 s6;
	s11 =	sor.u32 $0x81, s10;
	s13 =	sor.u32 $0x80, s10  }
.LBB2_10:
0x15: {  	p1 =	slt.u32 s20, $0x3  }
0x16: {  	s22 =	simm.s32 @!p1 $0x2  }
0x17: {  	_ =	swait.ge @!p1 [sflag:s22], $0x1F40  }
0x18: {  	[sflag:s22] =	ssyncset.done @!p1 $0x0  }
0x19: {  	[sflag:s22] =	ssyncadd.s32 @!p1 $0xFFFFE0C0;
	s22 =	simm.s32 @!p1 $0x9  }
0x1a: {  	_ =	swait.ge @!p1 [sflag:s22], $0x10  }
0x1b: {  	s23 =	sadd.s32 $0x1F40, s21;
	s24 =	smov.u32 s6;
	[sflag:s22] =	ssyncset.done @!p1 $0x0  }
0x1c: {  	s20 =	sadd.s32 $0x1, s20;
	[sflag:s22] =	ssyncadd.s32 @!p1 $0xFFFFFFF0;
	p1 =	slt.s32 s23, s9  }
0x1d: {  	s24 =	smov.u32 @p1 s23;
	p1 =	sne.s32 s20, $0x17  }
.Ltmp1:
0x1e: {  	_ = 	snop;
	(pc) =	sbr.rel @!p1 .LBB2_11-.Ltmp1, $3  }
0x1f: {  	_ =	sdelay $0x1  }
0x20: {  	s15 =	sadd.s32 $0x1, s15;
	p0 =	por !p0, !p0;
	s16 =	sadd.s32 $0x1F40, s16  }
0x21: {  	s17 =	sadd.s32 $0x1, s17;
	s22 =	smov.u32 s21;
	s21 =	smov.u32 s24  }
.LBB2_1:
0x22: {  	p1 =	sgt.u32 s20, $0x13  }
0x23: {  	s23 =	smul.u32 @!p1 $0xAB, s20;
	_ =	sdelay $0x1  }
0x24: {  	s23 =	sshrl.u32 @!p1 s23, $0x9  }
0x25: {  	s23 =	sand.u32 @!p1 $0x7F, s23  }
0x26: {  	s23 =	smul.u32 @!p1 $0x3, s23;
	_ =	sdelay $0x1  }
0x27: {  	s23 =	ssub.s32 @!p1 s20, s23  }
0x28: {  	s23 =	sand.u32 @!p1 $0xFF, s23  }
0x29: {  	s23 =	smul.u32 @!p1 $0x7D00, s23;
	_ =	sdelay $0x1  }
0x2a: {  	s24 =	sshrl.u32 @!p1 s21, $0x3;
	s23 =	sshrl.u32 @!p1 s23, $0x2  }
0x2b: {  	s25 =	sand.u32 @!p1 $0x7, s21;
	s24 =	sadd.s32 @!p1 s2, s24;
	s23 =	sadd.s32 @!p1 $0x100, s23  }
0x2c: {  	[tilespmem:s23], [sflag:$0x7] =	stream.linear.gather @!p1 [hbm4b:s24+s25], $0x1F40, $0x38;
	[tilespmem:$0x11A60] =	vst v63  }
0x2d: {  	s23 =	sadd.s32 $0xFFFFFFFF, s20  }
0x2e: {  	p1 =	sgt.u32 s23, $0x13  }
.Ltmp2:
0x2f: {  	_ = 	snop;
	(pc) =	sbr.rel @p1 .LBB2_5-.Ltmp2, $1  }
0x30: {  	_ =	sdelay $0x3  }
0x31: {  	s24 =	smul.u32 $0xAB, s23;
	_ =	sdelay $0x1  }
0x32: {  	s24 =	sshrl.u32 s24, $0x9  }
0x33: {  	s24 =	sand.u32 $0x7F, s24  }
0x34: {  	s24 =	smul.u32 $0x3, s24;
	_ =	sdelay $0x1  }
0x35: {  	s24 =	ssub.s32 s23, s24  }
0x36: {  	s24 =	sand.u32 $0xFF, s24  }
0x37: {  	s24 =	smul.u32 $0x7D00, s24  }
0x38: {  	_ =	swait.ge [sflag:s5], $0x1F40  }
0x39: {  	[sflag:s5] =	ssyncset.done $0x0;
	s24 =	sshrl.u32 s24, $0x2  }
0x3a: {  	[sflag:s5] =	ssyncadd.s32 $0xFFFFE0C0;
	(ifvalue) =	ssetifvalue $0xFFFFFFFF;
	v3 =	vld.msk [tilespmem:s24+$0x100 ss:$0x1], $0xffff  }
0x3b: {  	s29 =	sand.u32 $0xFF, s15  }
0x3c: {  	s25 =	smulhi.u32 $0x55555556, s29  }
0x3d: {  	p1 =	sne.s32 s20, $0x1  }
0x3e: {  	v4 =	vimm.s32 @!p1 $0x0;
	s25 =	smul.u32 $0x17700, s25  }
0x3f: {  	s24 =	smul.u32 $0x7D00, s29;
	v4 =	vperm.xlane @!p1 v3, v4  }
0x40: {  	s26 =	sshll.u32 s20, $0x4;
	vm4 =	vlt.u32 v3, $0x13C00  }
0x41: {  	s30 =	sand.u32 $0x10, s26;
	s24 =	ssub.s32 s24, s25;
	v3 =	vnsel vm4, $0xFFFFFFFE, v3;
	vm4 =	vlt.u32 @!p1 v4, $0x13C00  }
0x42: {  	s24 =	sshra.s32 s24, $0x2;
	[tilespmem:s30+$0x60] =	vst v3;
	v3 =	vnsel @!p1 vm4, $0xFFFFFFFE, v4  }
0x43: {  	s28 =	sadd.s32 $0x2030, s24;
	[tilespmem:$0x80] =	vst @!p1 v3  }
0x44: {  	v3 =	vld.msk [tilespmem:s28+$0x0 ss:$0x1], $0xffff;
	_ =	sdelay $0x4  }
0x45: {  	(xrf1) =	vunique.msk.u32 $0xffff, v3;
	_ =	sdelay $0xd  }
0x46: {  	v4 =	vimm.s32 $0xFFFFFFFF;
	v5, _, _ =	vpop (xrf1)  }
0x47: {  	vm5 =	vne.s32 v3, v4;
	vm4 =	veq.s32 v5, v2  }
0x48: {  	vm6 =	vlt.u32 v3, $0x13C00;
	vm4 =	vmand vm5, vm4  }
0x49: {  	vm4 =	vmand vm6, vm4  }
0x4a: {  	v4 =	vnsel vm4, $0xFFFFFFFF, v3  }
0x4b: {  	s31 =	sand.u32 $0x1, s23  }
0x4c: {  	s23 =	simm.s32 $0x1F40;
	p1 =	seq.s32 s31, $0x1  }
0x4d: {  	s23 =	simm.s32 @!p1 $0x0  }
0x4e: {  	s24 =	sadd.s32 $0x7DF0, s23;
	(ifvalue) =	ssetifvalue $0xFFFFFFFF  }
0x4f: {  	v3 =	vperm.xlane v3, v1;
	[tilespmem:s24], [sflag:$0x8] =	stream.indirect_vreg.gather [hbm4b:s1+s14], $0x1, v4, vm0, $0x4038;
	v4 =	vnsel vm6, $0xFFFFFFFE, v4;
	[tilespmem:$0x11A60] =	vst v63  }
0x50: {  	s25 =	simm.s32 $0x0;
	s26 =	sadd.s32 $0xFFFFFFF0, s28;
	[tilespmem:s28+$0x0] =	vst v4  }
.LBB2_3:
0x51: {  	v4 =	vld.msk [tilespmem:s26+$0x0 ss:$0x1], $0xffff;
	s25 =	sadd.s32 $0x10, s25;
	v5 =	vmov v3;
	s28 =	smov.u32 s26  }
0x52: {  	p1 =	slt.u32 s25, $0x1F30;
	_ =	sdelay $0x4  }
0x53: {  	v3 =	vperm.xlane v4, v1;
	(xrf1) =	vunique.msk.u32 $0xffff, v4;
	_ =	sdelay $0xd  }
0x54: {  	v6, _, _ =	vpop (xrf1)  }
0x55: {  	vm5 =	vne.s32 v4, v5;
	vm4 =	veq.s32 v6, v2  }
0x56: {  	vm6 =	vlt.u32 v4, $0x13C00;
	vm4 =	vmand vm5, vm4  }
0x57: {  	vm4 =	vmand vm6, vm4  }
0x58: {  	v4 =	vnsel vm4, $0xFFFFFFFF, v4  }
.Ltmp3:
0x59: {  	v5 =	vnsel vm6, $0xFFFFFFFE, v4;
	(pc) =	sbr.rel @p1 .LBB2_3-.Ltmp3, $3  }
0x5a: {  	_ =	sdelay $0x1  }
0x5b: {  	s26 =	sadd.s32 $0xFFFFFFF0, s26;
	s24 =	sadd.s32 $0xFFFFFFF0, s24;
	(ifvalue) =	ssetifvalue $0xFFFFFFFF  }
0x5c: {  	[tilespmem:s24], [sflag:$0x8] =	stream.indirect_vreg.gather [hbm4b:s1+s14], $0x1, v4, vm0, $0x4038;
	[tilespmem:s28+$0x0] =	vst v5  }
0x5d: {  	s22 =	sshrl.u32 s22, $0x3  }
0x5e: {  	s23 =	sadd.s32 $0x9D40, s23;
	s22 =	sadd.s32 s8, s22  }
0x5f: {  	[tilespmem:s23], [sflag:$0x8] =	stream.linear.gather [hbm:s22], $0x1F40, $0x38;
	[tilespmem:$0x11A60] =	vst v63  }
.LBB2_5:
0x60: {  	p1 =	sgt.u32 s20, $0x16  }
.Ltmp4:
0x61: {  	_ = 	snop;
	(pc) =	sbr.rel @p1 .LBB2_7-.Ltmp4, $1  }
0x62: {  	_ =	sdelay $0x3  }
0x63: {  	s22 =	sshll.u32 s3, s20  }
0x64: {  	s22 =	sand.u32 $0x400003, s22  }
0x65: {  	p1 =	sne.s32 s22, $0x0  }
.Ltmp5:
0x66: {  	_ = 	snop;
	(pc) =	sbr.rel @p1 .LBB2_10-.Ltmp5, $1  }
0x67: {  	_ =	sdelay $0x3  }
.LBB2_7:
0x68: {  	s22 =	sadd.s32 $0xFFFFFFFE, s20  }
0x69: {  	s23 =	smulhi.u32 $0xAAAAAAAB, s22;
	_ =	sdelay $0x1  }
0x6a: {  	s23 =	sshrl.u32 s23, $0x1  }
0x6b: {  	s23 =	smul.u32 $0x3, s23;
	_ =	sdelay $0x1  }
0x6c: {  	s22 =	ssub.s32 s22, s23  }
0x6d: {  	_ =	swait.ge [sflag:s7], $0x3E80;
	s26 =	smul.u32 $0x1F40, s22  }
0x6e: {  	p1 =	sne.s32 s20, $0x15;
	[sflag:s7] =	ssyncset.done $0x0  }
0x6f: {  	[sflag:s7] =	ssyncadd.s32 $0xFFFFC180;
	s22 =	sadd.s32 @!p1 $0x203F, s26  }
0x70: {  	[spmem:s11] =	stream.linear.scatter @!p1 [tilespmem:s22], [sflag:$0x1], $0x1, $0x38;
	[tilespmem:$0x11A60] =	vst v63  }
0x71: {  	s22 =	simm.s32 @!p1 $0x1  }
0x72: {  	_ =	swait.ge @!p1 [sflag:s22], $0x1  }
0x73: {  	s25 =	sshll.u32 s20, $0x4;
	[sflag:s22] =	ssyncset.done @!p1 $0x0  }
0x74: {  	[sflag:s22] =	ssyncadd.s32 @!p1 $0xFFFFFFFF;
	s22 =	sand.u32 $0x10, s25  }
0x75: {  	v4 =	vld [tilespmem:s22+$0x10];
	s28 =	sxor.u32 $0x10, s22  }
0x76: {  	v5 =	vld [tilespmem:s28+$0x60]  }
0x77: {  	v3 =	vld [tilespmem:$0x80];
	_ =	sdelay $0x2  }
0x78: {  	(v2sf) =	vpush v4, $0x0  }
0x79: {  	(v2sf) =	vpush v5, $0x0  }
0x7a: {  	(v2sf) =	vpush v3, $0x0;
	_ =	sdelay $0xc  }
0x7b: {  	s23 =	spop (v2sf)  }
0x7c: {  	s25 =	spop (v2sf)  }
0x7d: {  	s24 =	spop (v2sf)  }
0x7e: {  	p2 =	seq.s32 s23, s25;
	p3 =	seq.s32 s24, s23  }
0x7f: {  	p3 =	por p2, p3  }
0x80: {  	s23 =	sand.u32 $0x1, s20;
	v4 =	vpsel p3, $0xFFFFFFFF, v4  }
0x81: {  	s25 =	smul.u32 $0x1F40, s23;
	[tilespmem:s22+$0x10] =	vst.msk $0x1, v4  }
0x82: {  	v4 =	vld [tilespmem:$0x30]  }
0x83: {  	v5 =	vld [tilespmem:s25+$0x9D40]  }
0x84: {  	v6 =	vld [tilespmem:s22+$0x40];
	_ =	sdelay $0x3  }
0x85: {  	vm4 =	vmmov vm1;
	v5 =	vadd.f32 v5, v4  }
0x86: {  	vm5 =	vmmov vm2;
	vm4 =	vmmov @p2 vm2;
	s23 =	sshll.u32 s23, $0x4;
	v4 =	vadd.f32 v6, v4  }
0x87: {  	vm5 =	vmmov @p3 vm1;
	s23 =	sor.u32 $0x11A40, s23;
	[tilespmem:s25+$0x9D40] =	vst.msk vm4, v5  }
0x88: {  	[tilespmem:s23+$0x0] =	vst.msk vm5, v4  }
0x89: {  	v4 =	vld [tilespmem:s25+$0x7DF0];
	_ =	sdelay $0x3  }
0x8a: {  	v5 =	vimm.f32 $0.0e+00  }
0x8b: {  	v4 =	vshift.insert v4, v5, s18  }
0x8c: {  	s29 =	sor.u32 $0x40, s28  }
0x8d: {  	[tilespmem:s29+$0x0] =	vst.msk $0x1, v4  }
0x8e: {  	[tilespmem:s25+$0x7DFF] =	vst.msk $0x1, v5  }
0x8f: {  	v4 =	vld [tilespmem:s26+$0x2030];
	_ =	sdelay $0x1  }
0x90: {  	s29 =	smulhi.u32 $0xAAAAAAAB, s17;
	s26 =	simm.s32 $0x1  }
0x91: {  	s26 =	simm.s32 @!p0 $0x0  }
0x92: {  	s29 =	sshrl.u32 s29, $0x1;
	s26 =	smul.u32 $0x7D00, s26  }
0x93: {  	s29 =	smul.u32 $0xFFFE8900, s29;
	v4 =	vshift.insert v4, v1, s18  }
0x94: {  	s30 =	sshrl.u32 s26, $0x2  }
0x95: {  	s29 =	sshra.s32 s29, $0x2;
	s26 =	sadd.s32 $0x9D40, s30;
	[tilespmem:s28+$0x10] =	vst.msk $0x1, v4  }
0x96: {  	s31 =	sadd.s32 s29, s16;
	v6 =	vld [tilespmem:s26+$0x0]  }
0x97: {  	v7 =	vld [tilespmem:s31+$0x0];
	_ =	sdelay $0x3  }
0x98: {  	v5 =	vadd.f32 v6, v5  }
0x99: {  	vm4 =	vne.s32 v7, $0xFFFFFFFF  }
0x9a: {  	(xrf2) =	vadd.seg.scan.f32 vm4, v5;
	_ =	sdelay $0x3  }
0x9b: {  	s28 =	sadd.s32 $0x5EC0, s30;
	v5 =	vperm.xlane v4, v1  }
0x9c: {  	v6 =	vld [tilespmem:s28+$0x0]  }
0x9d: {  	vm5 =	veq.s32 v7, v3;
	vm6 =	veq.s32 v7, v5  }
0x9e: {  	vm7 =	vgt.u32 v7, $0xFFFFFFFD;
	vm6 =	vmor vm6, vm5  }
0x9f: {  	vm6 =	vmor vm6, vm7  }
0xa0: {  	v9 =	vld [tilespmem:$0xA0];
	v7 =	vsel vm6, $0xFFFFFFFF, v7  }
0xa1: {  	v10 =	vld [tilespmem:$0x90];
	v6 =	vsel vm5, $0x0, v6;
	v8, _, _ =	vpop (xrf2)  }
0xa2: {  	v6 =	vadd.f32 v8, v6  }
0xa3: {  	s29 =	sadd.s32 $0xDBC0, s30  }
0xa4: {  	vm4 =	vmand vm4, vm3;
	[tilespmem:s29+$0x0] =	vst v6;
	(ifvalue) =	ssetifvalue $0xFFFFFFFF  }
0xa5: {  	vm6 =	veq.s32 v9, $0x1;
	[hbm4b:s1+s14] =	stream.indirect_vreg.scatter [tilespmem:s29], [sflag:$0x2], $0x1, v7, vm0, $0x4038;
	v7 =	vsel vm4, $0x0, v8;
	[tilespmem:$0x11A60] =	vst v63  }
0xa6: {  	s30 =	simm.s32 $0x0;
	s31 =	sadd.s32 $0x10, s31;
	vm4 =	vmor vm6, vm5;
	v6 =	vsel vm5, v8, v10;
	v7 =	vshift.insert v7, v0, s18  }
.LBB2_8:
0xa7: {  	v8 =	vld [tilespmem:s31+$0x0];
	s26 =	sadd.s32 $0x10, s26  }
0xa8: {  	s28 =	sadd.s32 $0x10, s28;
	v9 =	vld [tilespmem:s26+$0x0]  }
0xa9: {  	s30 =	sadd.s32 $0x10, s30;
	v10 =	vld [tilespmem:s28+$0x0]  }
0xaa: {  	p2 =	slt.u32 s30, $0x1F30;
	_ =	sdelay $0x2  }
0xab: {  	v7 =	vadd.f32 v9, v7  }
0xac: {  	vm5 =	vne.s32 v8, $0xFFFFFFFF  }
0xad: {  	vm6 =	vmand vm5, vm3;
	(xrf2) =	vadd.seg.scan.f32 vm5, v7;
	_ =	sdelay $0x5  }
0xae: {  	vm7 =	veq.s32 v8, v5;
	vm5 =	veq.s32 v8, v3  }
0xaf: {  	vm8 =	vgt.u32 v8, $0xFFFFFFFD;
	vm4 =	vmor vm4, vm5;
	vm7 =	vmor vm7, vm5  }
0xb0: {  	vm7 =	vmor vm7, vm8  }
0xb1: {  	v8 =	vsel vm7, $0xFFFFFFFF, v8  }
.Ltmp6:
0xb2: {  	v7 =	vsel vm5, $0x0, v10;
	v9, _, _ =	vpop (xrf2);
	(pc) =	sbr.rel @p2 .LBB2_8-.Ltmp6, $4  }
0xb3: {  	v6 =	vsel vm5, v9, v6;
	v10 =	vadd.f32 v9, v7;
	v7 =	vsel vm6, $0x0, v9  }
0xb4: {  	s29 =	sadd.s32 $0x10, s29;
	v7 =	vshift.insert v7, v0, s18  }
0xb5: {  	s31 =	sadd.s32 $0x10, s31;
	[tilespmem:s29+$0x0] =	vst v10;
	(ifvalue) =	ssetifvalue $0xFFFFFFFF  }
0xb6: {  	[hbm4b:s1+s14] =	stream.indirect_vreg.scatter [tilespmem:s29], [sflag:$0x2], $0x1, v8, vm0, $0x4038;
	[tilespmem:$0x11A60] =	vst v63  }
0xb7: {  	v3 =	vld [tilespmem:s25+$0xFAF0];
	_ =	sdelay $0x4  }
0xb8: {  	v3 =	vshift.insert v3, v0, s18;
	_ =	sdelay $0x1  }
0xb9: {  	[tilespmem:s19+$0x0] =	vst.msk $0x1, v3  }
0xba: {  	v3 =	vsel vm4, $0x1, v1;
	[tilespmem:$0x90] =	vst v6  }
0xbb: {  	s25 =	sadd.s32 @!p1 $0xFAFF, s25;
	[tilespmem:$0xA0] =	vst v3  }
0xbc: {  	[spmem:s12] =	stream.linear.scatter @!p1 [tilespmem:s25], [sflag:$0x1], $0x1, $0x38;
	[tilespmem:$0x11A60] =	vst v63  }
0xbd: {  	s25 =	simm.s32 @!p1 $0x1  }
0xbe: {  	v3 =	vmctz.xlane @!p1 vm4;
	_ =	swait.ge @!p1 [sflag:s25], $0x1  }
0xbf: {  	(v2sf) =	vpush @!p1 v4, $0x0  }
0xc0: {  	(v2sf) =	vpush @!p1 v3, $0x0;
	_ =	sdelay $0xd  }
0xc1: {  	s26 =	spop @!p1 (v2sf)  }
0xc2: {  	s28 =	spop @!p1 (v2sf)  }
0xc3: {  	p2 =	sne.s32 @!p1 s24, s26;
	p3 =	slt.s32 @!p1 s28, $0xF  }
0xc4: {  	[sflag:s25] =	ssyncset.done @!p1 $0x0;
	p2 =	por p2, p1;
	p3 =	por !p3, p1  }
0xc5: {  	[sflag:s25] =	ssyncadd.s32 @!p1 $0xFFFFFFFF;
	v3 =	vimm.s32 @!p2 $0xFFFFFFFF;
	s28 =	simm.s32 @p3 $0xF  }
0xc6: {  	[tilespmem:$0x80] =	vst @!p2 v3;
	s24 =	sadd.s32 @!p1 $0x90, s28  }
0xc7: {  	[spmem:s10] =	stream.linear.scatter @!p1 [tilespmem:s24], [sflag:$0x1], $0x1, $0x38;
	[tilespmem:$0x11A60] =	vst v63  }
0xc8: {  	_ =	swait.ge @!p1 [sflag:s25], $0x1  }
0xc9: {  	[sflag:s25] =	ssyncset.done @!p1 $0x0  }
0xca: {  	s24 =	simm.s32 @!p1 $0x80;
	[sflag:s25] =	ssyncadd.s32 @!p1 $0xFFFFFFFF  }
0xcb: {  	[spmem:s13] =	stream.linear.scatter @!p1 [tilespmem:s24], [sflag:$0x1], $0x1, $0x38;
	[tilespmem:$0x11A60] =	vst v63  }
0xcc: {  	_ =	swait.ge @!p1 [sflag:s25], $0x1  }
0xcd: {  	[sflag:s25] =	ssyncset.done @!p1 $0x0  }
0xce: {  	[sflag:s25] =	ssyncadd.s32 @!p1 $0xFFFFFFFF;
	(ifvalue) =	ssetifvalue $0xFFFFFFFF;
	v3 =	vld [tilespmem:s22+$0x10];
	_ =	sdelay $0x3  }
.Ltmp7:
0xcf: {  	_ = 	snop;
	(pc) =	sbr.rel .LBB2_10-.Ltmp7, $3  }
0xd0: {  	_ =	sdelay $0x1  }
0xd1: {  	(ifvalue) =	ssetifvalue $0xFFFFFFFF  }
0xd2: {  	[hbm4b:s1+s14] =	stream.indirect_vreg.scatter [tilespmem:s23], [sflag:$0x9], $0x1, v3, vm0, $0x4038;
	[tilespmem:$0x11A60] =	vst v63  }
.LBB2_11:
0xd3: {  	_ =	sfence.sel $0x180000  }
0xd4: {  	s2 =	simm.s32 $0x7;
	[bflag:$0x0] =	sbarrier.arrive $0xFFFF  }
0xd5: {  	s26 =	simm.s32 $0x8;
	[sflag:s2] =	ssyncpa.u1 $0x1  }
0xd6: {  	s28 =	simm.s32 $0x9;
	[sflag:s26] =	ssyncpa.u1 $0x1  }
0xd7: {  	[sflag:s28] =	ssyncpa.u1 $0x1  }
0xd8: {  	_ =	sfence.stream.spmem  }
0xd9: {  	s29 =	simm.s32 $0x3;
	[bflag:$0x0] =	sbarrier.arrive $0xFFFF  }
0xda: {  	s30 =	simm.s32 $0x4;
	[sflag:s29] =	ssyncpa.u1 $0x1  }
0xdb: {  	s31 =	simm.s32 $0x3C;
	[sflag:s30] =	ssyncpa.u1 $0x1  }
0xdc: {  	p0 =	sne.s32 s4, $0x0;
	[sflag:s31] =	ssyncpa.u1 $0x1  }
0xdd: {  	s0 =	simm.s32 @p0 $0x1;
	_ =	sfence @p0  }
0xde: {  	[sflag:s0] =	ssyncpa.u1 @p0 $0x1;
	s0 =	simm.s32 @p0 $0x2  }
0xdf: {  	[sflag:s0] =	ssyncpa.u1 @p0 $0x1  }
0xe0: {  	_ =	strace @p0 $0x9000004D  }
0xe1: {  	[bflag:$0x2] =	sbarrier.arrive @p0 $0xFFFF  }
0xe2: {  	_ =	shalt @p0  }
.LBB2_12:
0xe3: {  	_ =	sfence.stream.spmem;
	s4 =	simm.s32 $0x5  }
0xe4: {  	s2 =	simm.s32 $0x80;
	s3 =	simm.s32 $0xC0;
	[sflag:s4] =	ssyncpa.u1 $0x0  }
0xe5: {  	[tilespmem:s3], [sflag:$0x5] =	stream.linear.gather [spmem:s2], $0x20, $0x38;
	[tilespmem:$0x11A60] =	vst v63  }
0xe6: {  	s2 =	simm.s32 $0x0;
	s3 =	simm.s32 $0xE0  }
0xe7: {  	[tilespmem:s3], [sflag:$0x5] =	stream.linear.gather [spmem:s2], $0x20, $0x38;
	[tilespmem:$0x11A60] =	vst v63  }
.Ltmp8:
0xe8: {  	_ = 	snop;
	(pc) =	sbr.rel .LBB2_13-.Ltmp8, $4  }
0xe9: {  	_ =	swait.ge [sflag:s4], $0x40  }
0xea: {  	[sflag:s4] =	ssyncset.done $0x0  }
0xeb: {  	s31 =	simm.s32 $0x6;
	[sflag:s4] =	ssyncadd.s32 $0xFFFFFFC0  }
0xec: {  	s4 =	simm.s32 $0x0;
	[sflag:s31] =	ssyncpa.u1 $0x0  }
.LBB2_18:
0xed: {  	p0 =	sgt.u32 s5, $0x13BFF  }
0xee: {  	s6 =	sshrl.u32 @!p0 s5, $0x3  }
0xef: {  	s5 =	sand.u32 @!p0 $0x7, s5;
	s7 =	simm.s32 @!p0 $0xB0;
	s6 =	sadd.s32 @!p0 s1, s6  }
0xf0: {  	[tilespmem:s7], [sflag:$0x6] =	stream.linear.gather @!p0 [hbm4b:s6+s5], $0x1, $0x38;
	[tilespmem:$0x11A60] =	vst v63  }
0xf1: {  	s5 =	simm.s32 @!p0 $0x6  }
0xf2: {  	_ =	swait.ge @!p0 [sflag:s5], $0x1  }
0xf3: {  	[sflag:s5] =	ssyncset.done @!p0 $0x0  }
0xf4: {  	[sflag:s5] =	ssyncadd.s32 @!p0 $0xFFFFFFFF  }
0xf5: {  	v2 =	vmov @!p0 s4;
	v1 =	vld.msk @!p0 [tilespmem:$0xB0], $0x1;
	_ =	sdelay $0x3  }
0xf6: {  	s5 =	simm.s32 @!p0 $0xE0  }
0xf7: {  	[tilespmem:v2+s5+$0x0], v1 =	vst.idx.ret.add.f32.msk @!p0 $0x1, v1  }
0xf8: {  	[tilespmem:s2+$0xC0] =	vst.msk $0x1, v0  }
0xf9: {  	v0 =	vld.msk [tilespmem:s4+$0xE0], $0x1;
	_ =	sdelay $0x4  }
0xfa: {  	[tilespmem:s2+$0xE0] =	vst.msk $0x1, v0;
	s2 =	sadd.s32 $0x1, s2  }
.LBB2_20:
0xfb: {  	s4 =	sadd.s32 $0x1, s4  }
0xfc: {  	p0 =	sne.s32 s4, $0x20  }
.Ltmp9:
0xfd: {  	_ = 	snop;
	(pc) =	sbr.rel @!p0 .LBB2_21-.Ltmp9, $1  }
0xfe: {  	_ =	sdelay $0x3  }
.LBB2_13:
0xff: {  	v0 =	vld.msk [tilespmem:s4+$0xC0], $0x1;
	_ =	sdelay $0x4  }
0x100: {  	(v2sf) =	vpush v0, $0x0;
	_ =	sdelay $0xe  }
0x101: {  	s5 =	spop (v2sf)  }
0x102: {  	p0 =	seq.s32 s5, $0xFFFFFFFF  }
.Ltmp10:
0x103: {  	_ = 	snop;
	(pc) =	sbr.rel @p0 .LBB2_20-.Ltmp10, $1  }
0x104: {  	_ =	sdelay $0x3  }
0x105: {  	p0 =	slt.s32 s2, $0x1  }
.Ltmp11:
0x106: {  	_ = 	snop;
	(pc) =	sbr.rel @p0 .LBB2_18-.Ltmp11, $1  }
0x107: {  	_ =	sdelay $0x3  }
0x108: {  	s6 =	simm.s32 $0xC0;
	p0 =	por $0x0, $0x0  }
0x109: {  	v1 =	vld.msk @!p0 [tilespmem:s6+$0x0], $0x1;
	_ =	sdelay $0x4  }
0x10a: {  	(v2sf) =	vpush @!p0 v1, $0x0;
	_ =	sdelay $0xd  }
0x10b: {  	p2 =	sne.s32 s2, $0x1  }
.Ltmp12:
0x10c: {  	s7 =	spop @!p0 (v2sf);
	(pc) =	sbr.rel @!p2 .LBB2_17-.Ltmp12, $4  }
0x10d: {  	p1 =	seq.s32 @!p0 s5, s7  }
0x10e: {  	s7 =	simm.s32 $0x0;
	p1 =	por !p1, p0  }
0x10f: {  	s9 =	simm.s32 $0xFFFFFFFF;
	s7 =	simm.s32 @p1 $0xFFFFFFFF  }
0x110: {  	s8 =	simm.s32 $0x1;
	s7 =	smov.u32 @p0 s9  }
.LBB2_16:
0x111: {  	s9 =	smov.u32 s7;
	p0 =	sne.s32 s7, $0xFFFFFFFF  }
0x112: {  	s6 =	sadd.s32 $0x1, s6;
	s7 =	smov.u32 s8;
	s8 =	sadd.s32 $0x1, s8  }
0x113: {  	p1 =	sne.s32 s2, s8;
	v1 =	vld.msk @!p0 [tilespmem:s6+$0x0], $0x1;
	_ =	sdelay $0x4  }
0x114: {  	(v2sf) =	vpush @!p0 v1, $0x0;
	_ =	sdelay $0xe  }
.Ltmp13:
0x115: {  	s10 =	spop @!p0 (v2sf);
	(pc) =	sbr.rel @p1 .LBB2_16-.Ltmp13, $4  }
0x116: {  	p2 =	seq.s32 @!p0 s5, s10  }
0x117: {  	p2 =	por !p2, p0  }
0x118: {  	s7 =	simm.s32 @p2 $0xFFFFFFFF  }
0x119: {  	s7 =	smov.u32 @p0 s9  }
.LBB2_17:
0x11a: {  	p0 =	sne.s32 s7, $0xFFFFFFFF  }
.Ltmp14:
0x11b: {  	_ = 	snop;
	(pc) =	sbr.rel @!p0 .LBB2_18-.Ltmp14, $1  }
0x11c: {  	_ =	sdelay $0x3  }
0x11d: {  	v0 =	vld.msk [tilespmem:s4+$0xE0], $0x1;
	v1 =	vmov s7  }
.Ltmp15:
0x11e: {  	_ = 	snop;
	(pc) =	sbr.rel .LBB2_20-.Ltmp15, $2  }
0x11f: {  	_ =	sdelay $0x2  }
0x120: {  	[tilespmem:v1+s3+$0x0], v0 =	vst.idx.ret.add.f32.msk $0x1, v0  }
.LBB2_21:
0x121: {  	p0 =	slt.s32 s2, $0x1  }
.Ltmp16:
0x122: {  	_ = 	snop;
	(pc) =	sbr.rel @p0 .LBB2_25-.Ltmp16, $3  }
0x123: {  	_ =	sdelay $0x1  }
0x124: {  	s3 =	simm.s32 $0x6  }
0x125: {  	[sflag:s3] =	ssyncpa.u1 $0x1;
	s3 =	simm.s32 $0x0  }
0x126: {  	s4 =	simm.s32 $0xC0  }
0x127: {  	v0 =	vld.msk [tilespmem:s4+$0x0], $0x1;
	_ =	sdelay $0x4  }
0x128: {  	(v2sf) =	vpush v0, $0x0;
	_ =	sdelay $0xe  }
0x129: {  	s2 =	sadd.s32 $0xFFFFFFFF, s2;
	s5 =	spop (v2sf)  }
0x12a: {  	p1 =	sne.s32 s2, $0x0;
	p0 =	sgt.u32 s5, $0x13BFF  }
.Ltmp17:
0x12b: {  	s6 =	sshrl.u32 @!p0 s5, $0x3;
	(pc) =	sbr.rel @!p1 .LBB2_24-.Ltmp17, $4  }
0x12c: {  	s4 =	simm.s32 $0xE0;
	s5 =	sand.u32 @!p0 $0x7, s5;
	s6 =	sadd.s32 @!p0 s1, s6  }
0x12d: {  	[hbm4b:s6+s5] =	stream.linear.scatter @!p0 [tilespmem:s4], [sflag:$0x5], $0x1, $0x38;
	[tilespmem:$0x11A60] =	vst v63  }
0x12e: {  	s6 =	simm.s32 $0x0  }
0x12f: {  	s5 =	simm.s32 $0xC1;
	s6 =	simm.s32 @!p0 $0x4  }
.LBB2_23:
0x130: {  	v0 =	vld.msk [tilespmem:s5+$0x0], $0x1;
	s2 =	sadd.s32 $0xFFFFFFFF, s2;
	s3 =	sadd.s32 s3, s6  }
0x131: {  	p0 =	sne.s32 s2, $0x0;
	_ =	sdelay $0x3  }
0x132: {  	(v2sf) =	vpush v0, $0x0;
	_ =	sdelay $0xe  }
.Ltmp18:
0x133: {  	s7 =	spop (v2sf);
	(pc) =	sbr.rel @p0 .LBB2_23-.Ltmp18, $4  }
0x134: {  	s6 =	simm.s32 $0x0;
	p1 =	sgt.u32 s7, $0x13BFF  }
0x135: {  	s4 =	sadd.s32 $0x1, s4;
	s6 =	simm.s32 @!p1 $0x4;
	s8 =	sshrl.u32 @!p1 s7, $0x3  }
0x136: {  	s5 =	sadd.s32 $0x1, s5;
	s7 =	sand.u32 @!p1 $0x7, s7;
	s8 =	sadd.s32 @!p1 s1, s8  }
0x137: {  	[hbm4b:s8+s7] =	stream.linear.scatter @!p1 [tilespmem:s4], [sflag:$0x5], $0x1, $0x38;
	[tilespmem:$0x11A60] =	vst v63  }
.LBB2_24:
0x138: {  	s1 =	sadd.s32 s3, s6  }
0x139: {  	s3 =	sshrl.u32 s1, $0x2  }
.LBB2_25:
0x13a: {  	s1 =	simm.s32 $0x5  }
0x13b: {  	_ =	swait.ge [sflag:s1], s3  }
0x13c: {  	s2 =	ssub.s32 $0x0, s3;
	[sflag:s1] =	ssyncset.done $0x0  }
0x13d: {  	[sflag:s1] =	ssyncadd.s32 s2  }
0x13e: {  	[sflag:s1] =	ssyncpa.u1 $0x1  }
0x13f: {  	s30 =	simm.s32 $0x1;
	_ =	sfence  }
0x140: {  	s31 =	simm.s32 $0x2;
	[sflag:s30] =	ssyncpa.u1 $0x1  }
0x141: {  	[sflag:s31] =	ssyncpa.u1 $0x1  }
0x142: {  	_ =	strace $0x9000004D  }
0x143: {  	s0 =	sadd.s32 $0x100000, s0;
	[bflag:$0x2] =	sbarrier.arrive $0xFFFF  }
0x144: {  	[sflag:s0] =	ssyncadd.tile.s32 $0x1;
	_ =	shalt  }
.Lfunc_end2:
_tile_overlayer_lowered:
.L_overlay_start_2:
0x145: {  	(tag) =	ssettag $0x2  }
0x146: {  	s0 =	rddreg [dreg:$0x0];
	s2 =	stileid.u32  }
0x147: {  	s1 =	rddreg [dreg:$0x1];
	p0 =	sne.s32 s2, $0x0  }
0x148: {  	s3 =	rddreg [dreg:$0x2];
	[bflag:$0x3] =	sbarrier.arrive $0xFFFF;
	s2 =	simm.s32 @!p0 $0x1C01  }
0x149: {  	[timem:s3], [sflag:s2] =	dma.local @!p0 [hbm:s0], s1  }
0x14a: {  	s0 =	simm.s32 @!p0 $0x1  }
0x14b: {  	_ =	swait.ge @!p0 [sflag:s0], s1  }
0x14c: {  	s1 =	ssub.s32 @!p0 $0x0, s1;
	[sflag:s0] =	ssyncset.done @!p0 $0x0  }
0x14d: {  	[sflag:s0] =	ssyncadd.s32 @!p0 s1  }
0x14e: {  	[bflag:$0x3] =	sbarrier.arrive $0xFFFF  }
0x14f: {  	_ =	shalt  }

// kernel: sparse-core-data-format-call.1.cloned.1.call-start
scs
called_computation.2_lowered:
.L_overlay_start_0:
0x0: {  	s2 =	sld [smem:$0x3FD9]  }
0x1: {  	s3 =	sld [smem:$0x3FFE];
	_ =	sdelay $0x1  }
0x2: {  	s1 =	srdreg.scid  }
0x3: {  	s0 =	sand.u32 $0x1, s1  }
0x4: {  	s16 =	sshll.u32 s0, $0xA;
	s2 =	sadd.s32 s3, s2  }
0x5: {  	s2 =	sadd.s32 s2, s16  }
0x6: {  	[smem:$0x3FB9] =	sst s2  }
0x7: {  	_ = 	snop  }
0x8: {  	s2 =	sld [smem:$0x3FD0];
	_ =	sdelay $0x2  }
0x9: {  	s17 =	simm.s32 $0xB;
	s4 =	simm.s32 $0x10  }
0xa: {  	[smem:s4], [sflag:s17] =	dma.local [hbm:s2], $0x1  }
0xb: {  	_ =	swait.eq [sflag:s17], $0x1  }
0xc: {  	[sflag:s17] =	ssyncset.done $0x0  }
0xd: {  	[sflag:s17] =	ssyncadd.s32 $0xFFFFFFFF  }
0xe: {  	s18 =	sld [smem:$0x11];
	(tm) =	ssettm $0x1  }
0xf: {  	s19 =	sld [smem:$0x3FFB];
	_ =	sdelay $0x3  }
0x10: {  	_ =	strace s19  }
0x11: {  	s2 =	sld [smem:$0x3FFC];
	_ =	sdelay $0x3  }
0x12: {  	_ =	strace s2  }
0x13: {  	s2 =	sld [smem:$0x3FFD];
	_ =	sdelay $0x3  }
0x14: {  	_ =	strace s2  }
0x15: {  	_ =	strace $0x8FFFFFFF  }
0x16: {  	s20 =	sld [smem:$0x3FDB];
	_ =	sdelay $0x1  }
0x17: {  	s21 =	simm.s32 $_scs_section_size  }
0x18: {  	s5 =	simm.s32 $_size__tile_overlayer_lowered;
	s6 =	simm.s32 $_tile_overlayer_lowered  }
0x19: {  	s7 =	simm.s32 $0x1BFF;
	s22 =	sshll.u32 s6, $0x1;
	s4 =	sadd.s32 s21, s20  }
0x1a: {  	s23 =	simm.s32 $0x0;
	s5 =	sshll.u32 s5, $0x1;
	s6 =	sadd.s32 s22, s4  }
0x1b: {  	[timem:s23], [sflag:s7] =	dma.local [hbm:s6], s5  }
0x1c: {  	_ =	swait.ge [sflag:s7], s5  }
0x1d: {  	s5 =	ssub.s32 $0x0, s5;
	[sflag:s7] =	ssyncset.done $0x0  }
0x1e: {  	[sflag:s7] =	ssyncadd.s32 s5;
	_ =	sdelay $0x1  }
0x1f: {  	s24 =	simm.s32 $0x1B8B  }
0x20: {  	_ =	swait.ge [sflag:s24], $0x1  }
0x21: {  	[sflag:s24] =	ssyncset.done $0x0  }
0x22: {  	[sflag:s24] =	ssyncadd.s32 $0xFFFFFFFF  }
0x23: {  	s5 =	sld [smem:$0x0]  }
0x24: {  	s6 =	sand.u32 $0xFFFFFFFE, s1  }
0x25: {  	p0 =	sne.s32 s1, s6  }
0x26: {  	s6 =	sshll.u32 @p0 s6, $0xE  }
0x27: {  	s6 =	sadd.s32 @p0 $0x11B8D, s6;
	s7 =	sshll.u32 @p0 s5, $0x11  }
0x28: {  	s6 =	sor.u32 @p0 s7, s6  }
0x29: {  	[sflag:s6] =	ssyncadd.remote.s32 @p0 $0x1;
	_ =	sdelay $0x1  }
0x2a: {  	s6 =	simm.s32 @p0 $0x1B8D  }
0x2b: {  	_ =	swait.eq @p0 [sflag:s6], $0x1  }
0x2c: {  	[sflag:s6] =	ssyncadd.s32 @p0 $0xFFFFFFFF  }
0x2d: {  	s7 =	sshll.u32 @!p0 s1, $0xE  }
0x2e: {  	s7 =	sor.u32 @!p0 $0x4000, s7;
	s6 =	simm.s32 @!p0 $0x1B8D  }
0x2f: {  	s5 =	sshll.u32 @!p0 s5, $0x11;
	s7 =	sadd.s32 @!p0 $0x11B8D, s7;
	_ =	swait.eq @!p0 [sflag:s6], $0x1  }
0x30: {  	s5 =	sor.u32 @!p0 s5, s7;
	[sflag:s6] =	ssyncadd.s32 @!p0 $0xFFFFFFFF  }
0x31: {  	s26 =	simm.s32 $0x1B8E;
	s25 =	sld [smem:$0x3FFE];
	[sflag:s5] =	ssyncadd.remote.s32 @!p0 $0x1  }
0x32: {  	s27 =	simm.s32 $execute0_lowered;
	[smem:$0x3FD2] =	sst s26  }
0x33: {  	s6 =	sshll.u32 s27, $0x1;
	_ =	strace $0x80000049;
	[dreg:$0x1] =	wrdreg $0xFFFFFFFF  }
0x34: {  	s28 =	simm.s32 $_size_execute0_lowered;
	s4 =	sadd.s32 s4, s6;
	[dreg:$0x0] =	wrdreg $0x0  }
0x35: {  	s6 =	sshll.u32 s28, $0x1;
	[dreg:$0x2] =	wrdreg s4  }
0x36: {  	[dreg:$0x3] =	wrdreg s6  }
0x37: {  	[dreg:$0x4] =	wrdreg $0xC0  }
0x38: {  	_ =	task [dreg:s23], $0x5FFFF  }
0x39: {  	[dreg:$0x1] =	wrdreg $0xFFFFFFFF  }
0x3a: {  	[dreg:$0x0] =	wrdreg $0x60  }
0x3b: {  	[dreg:$0x2] =	wrdreg s18  }
0x3c: {  	[dreg:$0x3] =	wrdreg s25  }
0x3d: {  	[dreg:$0x4] =	wrdreg $0x9  }
0x3e: {  	_ =	task.clear_ibuf [dreg:s23], $0x5FFFF;
	_ =	strace $0x90000049  }
0x3f: {  	s29 =	simm.s32 $0x9;
	_ =	strace $0x8000004B  }
0x40: {  	_ =	swait.ge [sflag:s29], $0x1  }
0x41: {  	[sflag:s29] =	ssyncadd.s32 $0xFFFFFFFF  }
0x42: {  	_ =	strace $0x9000004B  }
0x43: {  	_ =	sfence  }
0x44: {  	s30 =	sld [smem:$0x0];
	_ =	sdelay $0x2  }
0x45: {  	s31 =	sshll.u32 s1, $0xD;
	s1 =	sshrl.u32 s1, $0x2  }
0x46: {  	s4 =	sand.u32 $0x4000, s31;
	s1 =	sadd.s32 s1, s30  }
0x47: {  	s0 =	sor.u32 s4, s0;
	s1 =	sshll.u32 s1, $0x11  }
0x48: {  	s0 =	sor.u32 s1, s0  }
0x49: {  	s0 =	sadd.s32 $0x8F2B, s0  }
0x4a: {  	[sflag:s0] =	ssyncadd.remote.s32 $0x1  }
0x4b: {  	_ =	sfence.sel $0xFFFF  }
0x4c: {  	[dreg:$0x0] =	wrdreg $0xFFFFFFFF;
	(pc) =	sbr.abs _section_cstart, $3  }
0x4d: {  	[dreg:$0x1] =	wrdreg $0xFFFFFFFF  }
0x4e: {  	_ =	task.clear_ibuf [dreg:s23], $0x2FFFF;
	_ =	strace $0x9FFFFFFF  }
0x4f: {  	(tm) =	ssettm $0x7FFFFFFF  }
tec
execute0_lowered:
.L_overlay_start_1:
0x0: {  	(tag) =	ssettag $0x1  }
0x1: {  	s0 =	srdreg.scid  }
0x2: {  	s1 =	sshll.u32 s0, $0x4  }
0x3: {  	s2 =	rddreg [dreg:$0x0];
	s0 =	stileid.u32;
	s1 =	sand.u32 $0x10, s1  }
0x4: {  	s4 =	rddreg [dreg:$0x1];
	s7 =	simm.s32 $0x1;
	s1 =	sor.u32 s0, s1  }
0x5: {  	s8 =	simm.s32 $0x2;
	s11 =	simm.s32 $0x0;
	s3 =	sshll.u32 s1, $0x7  }
0x6: {  	s10 =	simm.s32 $0x0;
	s4 =	sadd.s32 $0x94A00, s4;
	s6 =	ssub.s32 $0x4E200, s3  }
.Ltmp0:
0x7: {  	s1 =	rddreg [dreg:$0x2];
	s5 =	sand.u32 $0xF80, s6;
	(pc) =	sbr.rel .LBB1_1-.Ltmp0, $4  }
0x8: {  	_ =	strace $0x8000004A;
	s9 =	smov.u32 s3;
	p0 =	sne.s32 s5, $0x0  }
0x9: {  	s6 =	sshrl.u32 s6, $0xC;
	s5 =	simm.s32 $0x1;
	s7 =	simm.s32 @!p0 $0x0  }
0xa: {  	[sflag:s5] =	ssyncpa.u1 $0x0;
	p0 =	por $0x0, $0x0;
	s6 =	sadd.s32 s7, s6  }
0xb: {  	[sflag:s8] =	ssyncpa.u1 $0x0;
	s8 =	simm.s32 $0x271000;
	s7 =	sadd.s32 $0x1, s6  }
.LBB1_4:
0xc: {  	v5 =	vld [tilespmem:s15+$0xFFFFFFD0];
	[tilespmem:s14+$0x2040 ss:$0x81] =	vst.msk $0xffff, v3;
	s17 =	sshll.u32 s11, $0x3  }
0xd: {  	v58 =	vld [tilespmem:s15+$0xFFFFFFE0];
	[tilespmem:s14+$0x2850 ss:$0x81] =	vst.msk $0xffff, v4;
	s25 =	sand.u32 $0x7F, s11;
	s17 =	sand.u32 $0xFFFFFC00, s17  }
0xe: {  	s16 =	sshra.s32 s16, $0x2;
	v59 =	vld [tilespmem:s15+$0xFFFFFFF0];
	[tilespmem:s14+$0x3060 ss:$0x81] =	vst.msk $0xffff, v2;
	s11 =	sor.u32 s25, s17  }
0xf: {  	v60 =	vld [tilespmem:s15+$0x0];
	[tilespmem:s14+$0x0 ss:$0x81] =	vst.msk $0xffff, v0;
	s13 =	sadd.s32 s16, s13;
	s26 =	smulhi.u32 $0xD1B71759, s11  }
0x10: {  	v61 =	vld [tilespmem:s15+$0x10];
	[tilespmem:s13+$0x3870 ss:$0x81] =	vst.msk $0xffff, v1  }
0x11: {  	v62 =	vld [tilespmem:s15+$0x20];
	s27 =	smulhi.u32 $0xD1B71759, s17;
	[tilespmem:s13+$0x810 ss:$0x81] =	vst.msk $0xffff, v5;
	s14 =	sshrl.u32 s26, $0x12  }
0x12: {  	v63 =	vld [tilespmem:s15+$0xFFFFFFC0];
	[tilespmem:s13+$0x1020 ss:$0x81] =	vst.msk $0xffff, v58;
	s14 =	smul.u32 $0x4E200, s14  }
0x13: {  	s28 =	sshrl.u32 s27, $0x12;
	[tilespmem:s13+$0x1830 ss:$0x81] =	vst.msk $0xffff, v59  }
0x14: {  	[tilespmem:s13+$0x2040 ss:$0x81] =	vst.msk $0xffff, v60;
	s29 =	sand.u32 $0x7F, s28;
	s11 =	ssub.s32 s11, s14  }
0x15: {  	[tilespmem:s13+$0x2850 ss:$0x81] =	vst.msk $0xffff, v61;
	s14 =	smul.u32 $0x9C40, s29;
	s30 =	sshrl.u32 s11, $0x3;
	s11 =	sand.u32 $0x7, s11  }
0x16: {  	[tilespmem:s13+$0x3060 ss:$0x81] =	vst.msk $0xffff, v62;
	s15 =	sadd.s32 s4, s30;
	s11 =	sshll.u32 s11, $0x12  }
0x17: {  	[tilespmem:s13+$0x0 ss:$0x81] =	vst.msk $0xffff, v63;
	s31 =	sadd.s32 s14, s15;
	s11 =	sor.u32 $0x400, s11  }
0x18: {  	[hbm4b:s31+s11] =	stream.strided.scatter [tilespmem:s12], [sflag:$0x2], $0x4000, s8, s11, $0x20;
	[tilespmem:$0x10100] =	vst v63  }
.LBB1_5:
0x19: {  	s13 =	sadd.s32 $0x1000, s9  }
0x1a: {  	p2 =	sgt.s32 s13, $0x4E1FF  }
0x1b: {  	s13 =	smov.u32 @p2 s3;
	p2 =	sne.s32 s10, s7  }
.Ltmp1:
0x1c: {  	p1 =	slt.u32 s10, $0x2;
	(pc) =	sbr.rel @!p2 .LBB1_6-.Ltmp1, $4  }
0x1d: {  	s12 =	simm.s32 @!p1 $0x2  }
0x1e: {  	s14 =	sadd.s32 $0x1, s10;
	_ =	swait.ge @!p1 [sflag:s12], $0x4000  }
0x1f: {  	s11 =	smov.u32 s9;
	p0 =	por !p0, !p0;
	[sflag:s12] =	ssyncset.done @!p1 $0x0  }
0x20: {  	s10 =	smov.u32 s14;
	s9 =	smov.u32 s13;
	[sflag:s12] =	ssyncadd.s32 @!p1 $0xFFFFC000  }
.LBB1_1:
0x21: {  	p1 =	sge.u32 s10, s6  }
0x22: {  	s12 =	sand.u32 @!p1 $0x1FFFFFF, s9  }
0x23: {  	s13 =	smulhi.u32 @!p1 $0x1A36E2F, s12;
	_ =	sdelay $0x1  }
0x24: {  	s13 =	sshrl.u32 @!p1 s13, $0xB  }
0x25: {  	s13 =	smul.u32 @!p1 $0x4E200, s13;
	_ =	sdelay $0x1  }
0x26: {  	s14 =	sxor.u32 @!p1 $0xFFFFFFFF, s10;
	s12 =	ssub.s32 @!p1 s12, s13  }
0x27: {  	s31 =	sadd.s32 $0xFFFFFFFF, s10;
	s13 =	sshll.u32 @!p1 s14, $0xE;
	s12 =	sshll.u32 @!p1 s12, $0x4  }
0x28: {  	s14 =	simm.s32 @!p1 $0x0;
	s13 =	sand.u32 @!p1 $0x4000, s13;
	s12 =	sadd.s32 @!p1 s2, s12  }
0x29: {  	[tilespmem:s13], [sflag:$0x1] =	stream.linear.gather @!p1 [hbm4b:s12+s14], $0x4000, $0x38;
	[tilespmem:$0x10100] =	vst v63  }
0x2a: {  	p1 =	sge.u32 s31, s6  }
.Ltmp2:
0x2b: {  	_ = 	snop;
	(pc) =	sbr.rel @p1 .LBB1_5-.Ltmp2, $1  }
0x2c: {  	_ =	sdelay $0x3  }
0x2d: {  	s12 =	simm.s32 $0x1  }
0x2e: {  	_ =	swait.ge [sflag:s5], $0x4000;
	s12 =	simm.s32 @!p0 $0x0  }
0x2f: {  	[sflag:s5] =	ssyncset.done $0x0;
	s13 =	sshll.u32 s12, $0xE  }
0x30: {  	[sflag:s5] =	ssyncadd.s32 $0xFFFFC000;
	s15 =	sor.u32 $0x40, s13  }
0x31: {  	s12 =	smul.u32 $0x10200, s12;
	v0 =	vld [tilespmem:s15+$0x30]  }
0x32: {  	v1 =	vld [tilespmem:s15+$0xFFFFFFD0]  }
0x33: {  	s12 =	sshrl.u32 s12, $0x2;
	v5 =	vld [tilespmem:s15+$0xFFFFFFE0]  }
0x34: {  	v6 =	vld [tilespmem:s15+$0xFFFFFFF0];
	s13 =	sor.u32 $0x8000, s12  }
0x35: {  	s31 =	sand.u32 $0x1, s10;
	v3 =	vld [tilespmem:s15+$0x0];
	s14 =	sadd.s32 $0x0, s13  }
0x36: {  	v4 =	vld [tilespmem:s15+$0x10];
	s12 =	smul.u32 $0x10200, s31;
	[tilespmem:s14+$0x3870 ss:$0x81] =	vst.msk $0xffff, v0  }
0x37: {  	v2 =	vld [tilespmem:s15+$0x20];
	[tilespmem:s14+$0x810 ss:$0x81] =	vst.msk $0xffff, v1  }
0x38: {  	s12 =	sshrl.u32 s12, $0x2;
	v0 =	vld [tilespmem:s15+$0xFFFFFFC0];
	[tilespmem:s14+$0x1020 ss:$0x81] =	vst.msk $0xffff, v5;
	s15 =	sadd.s32 $0x80, s15  }
0x39: {  	s16 =	simm.s32 $0x4;
	s17 =	simm.s32 $0x8;
	s12 =	sor.u32 $0x8000, s12;
	[tilespmem:s14+$0x1830 ss:$0x81] =	vst.msk $0xffff, v6;
	v1 =	vld [tilespmem:s15+$0x30]  }
.LBB1_3:
0x3a: {  	p1 =	sne.s32 s17, $0x1FC;
	v5 =	vld [tilespmem:s15+$0xFFFFFFD0];
	[tilespmem:s14+$0x2040 ss:$0x81] =	vst.msk $0xffff, v3  }
0x3b: {  	v6 =	vld [tilespmem:s15+$0xFFFFFFE0];
	[tilespmem:s14+$0x2850 ss:$0x81] =	vst.msk $0xffff, v4  }
0x3c: {  	s18 =	sshra.s32 s16, $0x2;
	s16 =	smov.u32 s17;
	v7 =	vld [tilespmem:s15+$0xFFFFFFF0];
	[tilespmem:s14+$0x3060 ss:$0x81] =	vst.msk $0xffff, v2  }
.Ltmp3:
0x3d: {  	v3 =	vld [tilespmem:s15+$0x0];
	[tilespmem:s14+$0x0 ss:$0x81] =	vst.msk $0xffff, v0;
	s14 =	sadd.s32 s18, s13;
	(pc) =	sbr.rel @p1 .LBB1_3-.Ltmp3, $4  }
0x3e: {  	v4 =	vld [tilespmem:s15+$0x10];
	[tilespmem:s14+$0x3870 ss:$0x81] =	vst.msk $0xffff, v1  }
0x3f: {  	[tilespmem:s14+$0x810 ss:$0x81] =	vst.msk $0xffff, v5;
	v2 =	vld [tilespmem:s15+$0x20]  }
0x40: {  	v0 =	vld [tilespmem:s15+$0xFFFFFFC0];
	[tilespmem:s14+$0x1020 ss:$0x81] =	vst.msk $0xffff, v6;
	s15 =	sadd.s32 $0x80, s15  }
0x41: {  	s17 =	sadd.s32 $0x4, s17;
	v1 =	vld [tilespmem:s15+$0x30];
	[tilespmem:s14+$0x1830 ss:$0x81] =	vst.msk $0xffff, v7  }
.Ltmp4:
0x42: {  	_ = 	snop;
	(pc) =	sbr.rel .LBB1_4-.Ltmp4, $1  }
0x43: {  	_ =	sdelay $0x3  }
.LBB1_6:
0x44: {  	_ =	sfence.sel $0x180000  }
0x45: {  	s2 =	simm.s32 $0x1;
	[bflag:$0x0] =	sbarrier.arrive $0xFFFF  }
0x46: {  	s31 =	simm.s32 $0x2;
	[sflag:s2] =	ssyncpa.u1 $0x1  }
0x47: {  	[sflag:s31] =	ssyncpa.u1 $0x1  }
0x48: {  	p0 =	sne.s32 s0, $0x0;
	_ =	strace $0x9000004A  }
0x49: {  	s0 =	sadd.s32 @!p0 $0x100000, s1;
	[bflag:$0x2] =	sbarrier.arrive $0xFFFF  }
0x4a: {  	[sflag:s0] =	ssyncadd.tile.s32 @!p0 $0x1;
	_ =	shalt  }
.Lfunc_end1:
_tile_overlayer_lowered:
.L_overlay_start_2:
0x4b: {  	(tag) =	ssettag $0x2  }
0x4c: {  	s0 =	rddreg [dreg:$0x0];
	s2 =	stileid.u32  }
0x4d: {  	s1 =	rddreg [dreg:$0x1];
	p0 =	sne.s32 s2, $0x0  }
0x4e: {  	s3 =	rddreg [dreg:$0x2];
	[bflag:$0x3] =	sbarrier.arrive $0xFFFF;
	s2 =	simm.s32 @!p0 $0x1C01  }
0x4f: {  	[timem:s3], [sflag:s2] =	dma.local @!p0 [hbm:s0], s1  }
0x50: {  	s0 =	simm.s32 @!p0 $0x1  }
0x51: {  	_ =	swait.ge @!p0 [sflag:s0], s1  }
0x52: {  	s1 =	ssub.s32 @!p0 $0x0, s1;
	[sflag:s0] =	ssyncset.done @!p0 $0x0  }
0x53: {  	[sflag:s0] =	ssyncadd.s32 @!p0 s1  }
0x54: {  	[bflag:$0x3] =	sbarrier.arrive $0xFFFF  }
0x55: {  	_ =	shalt  }

// kernel: sparse-core-data-format-call.cloned.1.call-start
scs
called_computation.1_lowered:
.L_overlay_start_0:
0x0: {  	s2 =	sld [smem:$0x3FD9]  }
0x1: {  	s3 =	sld [smem:$0x3FFE];
	_ =	sdelay $0x1  }
0x2: {  	s1 =	srdreg.scid  }
0x3: {  	s0 =	sand.u32 $0x1, s1  }
0x4: {  	s18 =	sshll.u32 s0, $0xA;
	s2 =	sadd.s32 s3, s2  }
0x5: {  	s2 =	sadd.s32 s2, s18  }
0x6: {  	[smem:$0x3FB9] =	sst s2  }
0x7: {  	_ = 	snop  }
0x8: {  	(tm) =	ssettm $0x1  }
0x9: {  	s19 =	sld [smem:$0x3FFB];
	_ =	sdelay $0x3  }
0xa: {  	_ =	strace s19  }
0xb: {  	s2 =	sld [smem:$0x3FFC];
	_ =	sdelay $0x3  }
0xc: {  	_ =	strace s2  }
0xd: {  	s2 =	sld [smem:$0x3FFD];
	_ =	sdelay $0x3  }
0xe: {  	_ =	strace s2  }
0xf: {  	_ =	strace $0x8FFFFFFF  }
0x10: {  	s20 =	sld [smem:$0x3FDB];
	_ =	sdelay $0x1  }
0x11: {  	s21 =	simm.s32 $_scs_section_size  }
0x12: {  	s4 =	simm.s32 $_size__tile_overlayer_lowered;
	s5 =	simm.s32 $_tile_overlayer_lowered  }
0x13: {  	s6 =	simm.s32 $0x1BFF;
	s22 =	sshll.u32 s5, $0x1;
	s3 =	sadd.s32 s21, s20  }
0x14: {  	s23 =	simm.s32 $0x0;
	s4 =	sshll.u32 s4, $0x1;
	s5 =	sadd.s32 s22, s3  }
0x15: {  	[timem:s23], [sflag:s6] =	dma.local [hbm:s5], s4  }
0x16: {  	_ =	swait.ge [sflag:s6], s4  }
0x17: {  	s4 =	ssub.s32 $0x0, s4;
	[sflag:s6] =	ssyncset.done $0x0  }
0x18: {  	[sflag:s6] =	ssyncadd.s32 s4;
	_ =	sdelay $0x1  }
0x19: {  	s24 =	simm.s32 $0x1B8B  }
0x1a: {  	_ =	swait.ge [sflag:s24], $0x1  }
0x1b: {  	[sflag:s24] =	ssyncset.done $0x0  }
0x1c: {  	[sflag:s24] =	ssyncadd.s32 $0xFFFFFFFF  }
0x1d: {  	s4 =	sld [smem:$0x0]  }
0x1e: {  	s5 =	sand.u32 $0xFFFFFFFE, s1  }
0x1f: {  	p0 =	sne.s32 s1, s5  }
0x20: {  	s5 =	sshll.u32 @p0 s5, $0xE  }
0x21: {  	s5 =	sadd.s32 @p0 $0x11B8D, s5;
	s6 =	sshll.u32 @p0 s4, $0x11  }
0x22: {  	s5 =	sor.u32 @p0 s6, s5  }
0x23: {  	[sflag:s5] =	ssyncadd.remote.s32 @p0 $0x1;
	_ =	sdelay $0x1  }
0x24: {  	s5 =	simm.s32 @p0 $0x1B8D  }
0x25: {  	_ =	swait.eq @p0 [sflag:s5], $0x1  }
0x26: {  	[sflag:s5] =	ssyncadd.s32 @p0 $0xFFFFFFFF  }
0x27: {  	s6 =	sshll.u32 @!p0 s1, $0xE  }
0x28: {  	s6 =	sor.u32 @!p0 $0x4000, s6;
	s5 =	simm.s32 @!p0 $0x1B8D  }
0x29: {  	s4 =	sshll.u32 @!p0 s4, $0x11;
	s6 =	sadd.s32 @!p0 $0x11B8D, s6;
	_ =	swait.eq @!p0 [sflag:s5], $0x1  }
0x2a: {  	s4 =	sor.u32 @!p0 s4, s6;
	[sflag:s5] =	ssyncadd.s32 @!p0 $0xFFFFFFFF  }
0x2b: {  	s26 =	simm.s32 $0x1B8E;
	s25 =	sld [smem:$0x3FFE];
	[sflag:s4] =	ssyncadd.remote.s32 @!p0 $0x1  }
0x2c: {  	s27 =	simm.s32 $execute0_lowered;
	[smem:$0x3FD2] =	sst s26  }
0x2d: {  	s5 =	sshll.u32 s27, $0x1;
	_ =	strace $0x8000004F;
	[dreg:$0x1] =	wrdreg $0xFFFFFFFF  }
0x2e: {  	s28 =	simm.s32 $_size_execute0_lowered;
	s3 =	sadd.s32 s3, s5;
	[dreg:$0x0] =	wrdreg $0x0  }
0x2f: {  	s5 =	sshll.u32 s28, $0x1;
	[dreg:$0x2] =	wrdreg s3  }
0x30: {  	[dreg:$0x3] =	wrdreg s5  }
0x31: {  	[dreg:$0x4] =	wrdreg $0xC0  }
0x32: {  	_ =	task [dreg:s23], $0x5FFFF  }
0x33: {  	[dreg:$0x1] =	wrdreg $0xFFFFFFFF  }
0x34: {  	[dreg:$0x0] =	wrdreg $0x60  }
0x35: {  	[dreg:$0x2] =	wrdreg s25  }
0x36: {  	[dreg:$0x3] =	wrdreg $0xA  }
0x37: {  	_ =	task.clear_ibuf [dreg:s23], $0x4FFFF;
	_ =	strace $0x9000004F  }
0x38: {  	s29 =	simm.s32 $0xA;
	_ =	strace $0x80000051  }
0x39: {  	_ =	swait.ge [sflag:s29], $0x1  }
0x3a: {  	[sflag:s29] =	ssyncadd.s32 $0xFFFFFFFF  }
0x3b: {  	_ =	strace $0x90000051  }
0x3c: {  	_ =	sfence  }
0x3d: {  	s30 =	sld [smem:$0x0];
	_ =	sdelay $0x2  }
0x3e: {  	s31 =	sshll.u32 s1, $0xD;
	s1 =	sshrl.u32 s1, $0x2  }
0x3f: {  	s4 =	sand.u32 $0x4000, s31;
	s1 =	sadd.s32 s1, s30  }
0x40: {  	s0 =	sor.u32 s4, s0;
	s1 =	sshll.u32 s1, $0x11  }
0x41: {  	s0 =	sor.u32 s1, s0  }
0x42: {  	s0 =	sadd.s32 $0x8F2B, s0  }
0x43: {  	[sflag:s0] =	ssyncadd.remote.s32 $0x1  }
0x44: {  	_ =	sfence.sel $0xFFFF  }
0x45: {  	[dreg:$0x0] =	wrdreg $0xFFFFFFFF;
	(pc) =	sbr.abs _section_cstart, $3  }
0x46: {  	[dreg:$0x1] =	wrdreg $0xFFFFFFFF  }
0x47: {  	_ =	task.clear_ibuf [dreg:s23], $0x2FFFF;
	_ =	strace $0x9FFFFFFF  }
0x48: {  	(tm) =	ssettm $0x7FFFFFFF  }
0x49: {  	_ =	shalt  }
tec
execute0_lowered:
.L_overlay_start_1:
0x0: {  	(tag) =	ssettag $0x1  }
0x1: {  	s0 =	srdreg.scid;
	s5 =	rddreg [dreg:$0x0];
	s4 =	simm.s32 $0x1  }
0x2: {  	s8 =	simm.s32 $0x2;
	s13 =	simm.s32 $0x0;
	s1 =	sshll.u32 s0, $0x4  }
0x3: {  	s14 =	simm.s32 $0x0;
	s0 =	stileid.u32;
	s1 =	sand.u32 $0x10, s1  }
0x4: {  	s15 =	simm.s32 $0x0;
	s10 =	simm.s32 $0x0;
	s2 =	sor.u32 s0, s1  }
0x5: {  	s11 =	simm.s32 $0x0;
	s3 =	sadd.s32 $0xA58C00, s5;
	s2 =	sshll.u32 s2, $0x7  }
0x6: {  	s12 =	simm.s32 $0x0;
	s5 =	sadd.s32 $0xF3AC00, s5;
	s6 =	ssub.s32 $0x4E200, s2  }
.Ltmp0:
0x7: {  	s1 =	rddreg [dreg:$0x1];
	s7 =	sand.u32 $0xF80, s6;
	(pc) =	sbr.rel .LBB1_1-.Ltmp0, $4  }
0x8: {  	_ =	strace $0x80000050;
	p0 =	sne.s32 s7, $0x0;
	s7 =	simm.s32 $0x1  }
0x9: {  	[sflag:s4] =	ssyncpa.u1 $0x0;
	s6 =	sshrl.u32 s6, $0xC;
	s7 =	simm.s32 @!p0 $0x0  }
0xa: {  	[sflag:s8] =	ssyncpa.u1 $0x0;
	s8 =	simm.s32 $0x80;
	s6 =	sadd.s32 s7, s6  }
0xb: {  	s9 =	smov.u32 s2;
	p0 =	por $0x0, $0x0;
	s7 =	sadd.s32 $0x1, s6  }
.LBB1_7:
0xc: {  	s16 =	sadd.s32 $0x1000, s9  }
0xd: {  	s13 =	sadd.s32 $0x10, s10;
	s17 =	smov.u32 s10;
	p2 =	sgt.s32 s16, $0x4E1FF  }
0xe: {  	s17 =	smov.u32 @p2 s13  }
0xf: {  	s19 =	smov.u32 s11;
	s13 =	sadd.s32 $0x8, s11;
	p3 =	sgt.s32 s17, $0xF  }
0x10: {  	s19 =	smov.u32 @p3 s13  }
0x11: {  	s16 =	smov.u32 @p2 s2;
	p2 =	sgt.s32 s19, $0x7  }
0x12: {  	p1 =	slt.u32 s12, $0x2;
	s19 =	simm.s32 @p2 $0x0;
	p2 =	sne.s32 s12, s7  }
.Ltmp1:
0x13: {  	s18 =	simm.s32 @!p1 $0x2;
	(pc) =	sbr.rel @!p2 .LBB1_8-.Ltmp1, $4  }
0x14: {  	s14 =	smov.u32 s10;
	s15 =	smov.u32 s11;
	_ =	swait.ge @!p1 [sflag:s18], $0x4000  }
0x15: {  	p0 =	por !p0, !p0;
	[sflag:s18] =	ssyncset.done @!p1 $0x0;
	s17 =	simm.s32 @p3 $0x0  }
0x16: {  	s13 =	smov.u32 s9;
	[sflag:s18] =	ssyncadd.s32 @!p1 $0xFFFFC000;
	s9 =	smov.u32 s16  }
0x17: {  	s10 =	smov.u32 s17;
	s12 =	sadd.s32 $0x1, s12;
	s11 =	smov.u32 s19  }
.LBB1_1:
0x18: {  	p1 =	sge.u32 s12, s6  }
0x19: {  	s16 =	sshrl.u32 @!p1 s10, $0x3  }
0x1a: {  	s17 =	sshll.u32 @!p1 s9, $0x3;
	s16 =	smul.u32 @!p1 $0x271000, s16  }
0x1b: {  	s18 =	sshll.u32 @!p1 s10, $0x7;
	s17 =	sand.u32 @!p1 $0xFFFFFC00, s17  }
0x1c: {  	s16 =	sadd.s32 @!p1 s16, s17;
	s17 =	sand.u32 @!p1 $0x380, s18  }
0x1d: {  	s18 =	sand.u32 @!p1 $0x7F, s9;
	s16 =	sor.u32 @!p1 s17, s16  }
0x1e: {  	s17 =	sor.u32 @!p1 s18, s16  }
0x1f: {  	s18 =	smulhi.u32 @!p1 $0xD1B71759, s17  }
0x20: {  	s16 =	smulhi.u32 @!p1 $0xD1B71759, s16  }
0x21: {  	s18 =	sshrl.u32 @!p1 s18, $0x12  }
0x22: {  	s31 =	sadd.s32 $0xFFFFFFFF, s12;
	s16 =	sshrl.u32 @!p1 s16, $0x12;
	s18 =	smul.u32 @!p1 $0x4E200, s18  }
0x23: {  	s19 =	sxor.u32 @!p1 $0xFFFFFFFF, s12;
	s20 =	smul.u32 @!p1 $0x9C400, s11;
	s16 =	sand.u32 @!p1 $0xF, s16  }
0x24: {  	s19 =	sshll.u32 @!p1 s19, $0xE;
	s16 =	smul.u32 @!p1 $0x9C40, s16;
	s17 =	ssub.s32 @!p1 s17, s18  }
0x25: {  	s18 =	sand.u32 @!p1 $0x4000, s19;
	s19 =	sadd.s32 @!p1 s3, s20;
	s20 =	sand.u32 @!p1 $0x7, s17  }
0x26: {  	s17 =	sshrl.u32 @!p1 s17, $0x3;
	s16 =	sadd.s32 @!p1 s16, s19;
	s19 =	sshll.u32 @!p1 s20, $0x12  }
0x27: {  	s16 =	sadd.s32 @!p1 s17, s16;
	s17 =	sor.u32 @!p1 $0x400, s19;
	s19 =	simm.s32 @!p1 $0x271000  }
0x28: {  	[tilespmem:s18], [sflag:$0x1] =	stream.strided.gather @!p1 [hbm4b:s16+s17], $0x4000, s19, s17, $0x38;
	[tilespmem:$0x10800] =	vst v63  }
0x29: {  	p1 =	sge.u32 s31, s6  }
.Ltmp2:
0x2a: {  	_ = 	snop;
	(pc) =	sbr.rel @p1 .LBB1_7-.Ltmp2, $1  }
0x2b: {  	_ =	sdelay $0x3  }
0x2c: {  	s16 =	simm.s32 $0x1;
	s18 =	sand.u32 $0x1, s12  }
0x2d: {  	_ =	swait.ge [sflag:s4], $0x4000;
	s16 =	simm.s32 @!p0 $0x0;
	s19 =	smul.u32 $0x11000, s18  }
0x2e: {  	[sflag:s4] =	ssyncset.done $0x0;
	s17 =	smul.u32 $0x11000, s16  }
0x2f: {  	s16 =	sshll.u32 s16, $0xE;
	[sflag:s4] =	ssyncadd.s32 $0xFFFFC000  }
0x30: {  	s18 =	sor.u32 $0x40, s16;
	s31 =	sshrl.u32 s19, $0x2;
	s17 =	sshrl.u32 s17, $0x2  }
0x31: {  	s19 =	simm.s32 $0x0;
	s16 =	sor.u32 $0x8000, s31;
	s17 =	sor.u32 $0x8000, s17  }
.LBB1_3:
0x32: {  	v0 =	vld [tilespmem:s18+$0x30]  }
0x33: {  	v1 =	vld [tilespmem:s18+$0xFFFFFFD0]  }
0x34: {  	v5 =	vld [tilespmem:s18+$0xFFFFFFE0]  }
0x35: {  	v6 =	vld [tilespmem:s18+$0xFFFFFFF0]  }
0x36: {  	s20 =	sadd.s32 $0x0, s17;
	v2 =	vld [tilespmem:s18+$0x0]  }
0x37: {  	v3 =	vld [tilespmem:s18+$0x10];
	[tilespmem:s20+$0x3B80 ss:$0x88] =	vst.msk $0xffff, v0  }
0x38: {  	v4 =	vld [tilespmem:s18+$0x20];
	[tilespmem:s20+$0x880 ss:$0x88] =	vst.msk $0xffff, v1  }
0x39: {  	s21 =	sadd.s32 $0x80, s18;
	v0 =	vld [tilespmem:s18+$0xFFFFFFC0];
	[tilespmem:s20+$0x1100 ss:$0x88] =	vst.msk $0xffff, v5  }
0x3a: {  	s22 =	simm.s32 $0x4;
	s23 =	simm.s32 $0x8;
	v1 =	vld [tilespmem:s21+$0x30];
	[tilespmem:s20+$0x1980 ss:$0x88] =	vst.msk $0xffff, v6  }
.LBB1_4:
0x3b: {  	p1 =	sne.s32 s23, $0x3C;
	v5 =	vld [tilespmem:s21+$0xFFFFFFD0];
	[tilespmem:s20+$0x2200 ss:$0x88] =	vst.msk $0xffff, v2  }
0x3c: {  	v6 =	vld [tilespmem:s21+$0xFFFFFFE0];
	[tilespmem:s20+$0x2A80 ss:$0x88] =	vst.msk $0xffff, v3  }
0x3d: {  	s24 =	sshra.s32 s22, $0x2;
	s22 =	smov.u32 s23;
	v7 =	vld [tilespmem:s21+$0xFFFFFFF0];
	[tilespmem:s20+$0x3300 ss:$0x88] =	vst.msk $0xffff, v4  }
.Ltmp3:
0x3e: {  	v2 =	vld [tilespmem:s21+$0x0];
	[tilespmem:s20+$0x0 ss:$0x88] =	vst.msk $0xffff, v0;
	s20 =	sadd.s32 s24, s17;
	(pc) =	sbr.rel @p1 .LBB1_4-.Ltmp3, $4  }
0x3f: {  	v3 =	vld [tilespmem:s21+$0x10];
	[tilespmem:s20+$0x3B80 ss:$0x88] =	vst.msk $0xffff, v1  }
0x40: {  	[tilespmem:s20+$0x880 ss:$0x88] =	vst.msk $0xffff, v5;
	v4 =	vld [tilespmem:s21+$0x20]  }
0x41: {  	v0 =	vld [tilespmem:s21+$0xFFFFFFC0];
	[tilespmem:s20+$0x1100 ss:$0x88] =	vst.msk $0xffff, v6;
	s21 =	sadd.s32 $0x80, s21  }
0x42: {  	s23 =	sadd.s32 $0x4, s23;
	v1 =	vld [tilespmem:s21+$0x30];
	[tilespmem:s20+$0x1980 ss:$0x88] =	vst.msk $0xffff, v7  }
0x43: {  	v5 =	vld [tilespmem:s21+$0xFFFFFFD0];
	[tilespmem:s20+$0x2200 ss:$0x88] =	vst.msk $0xffff, v2  }
0x44: {  	v58 =	vld [tilespmem:s21+$0xFFFFFFE0];
	[tilespmem:s20+$0x2A80 ss:$0x88] =	vst.msk $0xffff, v3  }
0x45: {  	s22 =	sshra.s32 s22, $0x2;
	v59 =	vld [tilespmem:s21+$0xFFFFFFF0];
	[tilespmem:s20+$0x3300 ss:$0x88] =	vst.msk $0xffff, v4  }
0x46: {  	v60 =	vld [tilespmem:s21+$0x0];
	s22 =	sadd.s32 s22, s17;
	[tilespmem:s20+$0x0 ss:$0x88] =	vst.msk $0xffff, v0  }
0x47: {  	v61 =	vld [tilespmem:s21+$0x10];
	[tilespmem:s22+$0x3B80 ss:$0x88] =	vst.msk $0xffff, v1  }
0x48: {  	v62 =	vld [tilespmem:s21+$0x20];
	s19 =	sadd.s32 $0x1, s19;
	[tilespmem:s22+$0x880 ss:$0x88] =	vst.msk $0xffff, v5  }
0x49: {  	v63 =	vld [tilespmem:s21+$0xFFFFFFC0];
	p1 =	sne.s32 s19, $0x8;
	[tilespmem:s22+$0x1100 ss:$0x88] =	vst.msk $0xffff, v58  }
.Ltmp4:
0x4a: {  	[tilespmem:s22+$0x1980 ss:$0x88] =	vst.msk $0xffff, v59;
	(pc) =	sbr.rel @p1 .LBB1_3-.Ltmp4, $4  }
0x4b: {  	[tilespmem:s22+$0x2200 ss:$0x88] =	vst.msk $0xffff, v60  }
0x4c: {  	[tilespmem:s22+$0x2A80 ss:$0x88] =	vst.msk $0xffff, v61  }
0x4d: {  	[tilespmem:s22+$0x3300 ss:$0x88] =	vst.msk $0xffff, v62  }
0x4e: {  	s18 =	sadd.s32 $0x800, s18;
	s17 =	sadd.s32 $0x11, s17;
	[tilespmem:s22+$0x0 ss:$0x88] =	vst.msk $0xffff, v63  }
0x4f: {  	s15 =	sshll.u32 s15, $0x4  }
.Ltmp5:
0x50: {  	s13 =	sshll.u32 s13, $0x7;
	s15 =	sand.u32 $0x70, s15;
	(pc) =	sbr.rel .LBB1_7-.Ltmp5, $4  }
0x51: {  	s17 =	sshrl.u32 s14, $0x3;
	s31 =	sand.u32 $0x7, s14;
	s15 =	sadd.s32 s5, s15  }
0x52: {  	s17 =	sand.u32 $0xF, s17;
	s14 =	sshll.u32 s31, $0x12;
	s13 =	sadd.s32 s13, s15  }
0x53: {  	s14 =	sor.u32 $0x10, s14;
	s13 =	sadd.s32 s17, s13  }
0x54: {  	[hbm4b:s13+s14] =	stream.strided.scatter [tilespmem:s16], [sflag:$0x2], $0x4000, s8, s14, $0x8;
	[tilespmem:$0x10800] =	vst v63  }
.LBB1_8:
0x55: {  	_ =	sfence.sel $0x180000  }
0x56: {  	s2 =	simm.s32 $0x1;
	[bflag:$0x0] =	sbarrier.arrive $0xFFFF  }
0x57: {  	s31 =	simm.s32 $0x2;
	[sflag:s2] =	ssyncpa.u1 $0x1  }
0x58: {  	[sflag:s31] =	ssyncpa.u1 $0x1  }
0x59: {  	p0 =	sne.s32 s0, $0x0;
	_ =	strace $0x90000050  }
0x5a: {  	s0 =	sadd.s32 @!p0 $0x100000, s1;
	[bflag:$0x2] =	sbarrier.arrive $0xFFFF  }
0x5b: {  	[sflag:s0] =	ssyncadd.tile.s32 @!p0 $0x1;
	_ =	shalt  }
.Lfunc_end1:
_tile_overlayer_lowered:
.L_overlay_start_2:
0x5c: {  	(tag) =	ssettag $0x2  }
0x5d: {  	s0 =	rddreg [dreg:$0x0];
	s2 =	stileid.u32  }
0x5e: {  	s1 =	rddreg [dreg:$0x1];
	p0 =	sne.s32 s2, $0x0  }
0x5f: {  	s3 =	rddreg [dreg:$0x2];
	[bflag:$0x3] =	sbarrier.arrive $0xFFFF;
	s2 =	simm.s32 @!p0 $0x1C01  }
0x60: {  	[timem:s3], [sflag:s2] =	dma.local @!p0 [hbm:s0], s1  }
0x61: {  	s0 =	simm.s32 @!p0 $0x1  }
0x62: {  	_ =	swait.ge @!p0 [sflag:s0], s1  }
0x63: {  	s1 =	ssub.s32 @!p0 $0x0, s1;
	[sflag:s0] =	ssyncset.done @!p0 $0x0  }
0x64: {  	[sflag:s0] =	ssyncadd.s32 @!p0 s1  }
0x65: {  	[bflag:$0x3] =	sbarrier.arrive $0xFFFF  }
0x66: {  	_ =	shalt  }

</sc_bundles>
